<compile_context>
chip_gen: v7x
topology: tpu7x:2x2x1
jax: 0.10.2.dev20260603
libtpu: 0.0.44.dev20260713+nightly
codegen_flags: <defaults>
</compile_context>

<pallas_src>
import functools
import jax
import jax.numpy as jnp
from jax import lax
from jax.experimental import pallas as pl
from jax.experimental.pallas import tpu as pltpu
from jax.experimental.pallas import tpu_sc as plsc

_TOT = 256 * 3 * 224 * 224
_NW = 32
_PW = _TOT // _NW
_CH = 57344
_NCH = _PW // _CH


def _sc_body(x_ref, lab_ref, imgs_ref, labels_ref,
             buf, lab_buf, in_sem0, in_sem1, out_sem0, out_sem1):
    wid = lax.axis_index("s") * 2 + lax.axis_index("c")
    base = wid * _PW
    in_sems = (in_sem0, in_sem1)
    out_sems = (out_sem0, out_sem1)

    def in_cp(k):
        b = k % 2
        return pltpu.make_async_copy(
            x_ref.at[pl.ds(base + k * _CH, _CH)], buf.at[b], in_sems[b])

    def out_cp(k):
        b = k % 2
        return pltpu.make_async_copy(
            buf.at[b], imgs_ref.at[pl.ds(base + k * _CH, _CH)], out_sems[b])

    @pl.when(wid == 0)
    def _():
        pltpu.sync_copy(lab_ref, lab_buf)
        pltpu.sync_copy(lab_buf, labels_ref)

    in_cp(0).start()
    in_cp(1).start()
    for k in range(_NCH):
        in_cp(k).wait()
        out_cp(k).start()
        if k + 2 < _NCH:
            out_cp(k).wait()
            in_cp(k + 2).start()
    out_cp(_NCH - 2).wait()
    out_cp(_NCH - 1).wait()


def kernel(input_tensor, img_classes):
    n, c, h, w = input_tensor.shape
    x1 = jnp.transpose(input_tensor, (1, 2, 3, 0)).reshape(_TOT)
    mesh = plsc.VectorSubcoreMesh(core_axis_name="c", subcore_axis_name="s")
    imgs, labels = pl.kernel(
        _sc_body,
        mesh=mesh,
        out_type=[
            jax.ShapeDtypeStruct((_TOT,), input_tensor.dtype),
            jax.ShapeDtypeStruct(img_classes.shape, img_classes.dtype),
        ],
        scratch_types=[
            pltpu.VMEM((2, _CH), jnp.float32),
            pltpu.VMEM((256,), jnp.int32),
            pltpu.SemaphoreType.DMA,
            pltpu.SemaphoreType.DMA,
            pltpu.SemaphoreType.DMA,
            pltpu.SemaphoreType.DMA,
        ],
    )(x1, img_classes)
    imgs4 = jnp.transpose(imgs.reshape(c, h, w, n), (3, 0, 1, 2))
    return (imgs4, labels)

# --- scband reference (transcript-rebuilt; emitter-appended) ---
"""Pipeline reference for scband-input-image-layer-32607391711299 (READ-ONLY COPY).

The authoritative reference and input builder live on the scoring server;
editing this copy changes nothing except your own understanding.
"""

import jax, jax.numpy as jnp
import numpy as np


def setup_inputs() -> dict:
    num_classes = 256
    img_shape = (3, 224, 224)
    # torch.nn.Parameter(torch.zeros(len(img_classes), *img_shape))
    input_tensor = jnp.zeros((num_classes,) + img_shape, dtype=jnp.float32)
    # self.img_classes = torch.tensor(img_classes) with img_classes = list(range(256))
    img_classes = jnp.arange(num_classes, dtype=jnp.int32)
    return {"input_tensor": input_tensor, "img_classes": img_classes}


def reference(input_tensor, img_classes):
    # forward(batch_size=None): indices = range(len(self.img_classes))
    indices = jnp.arange(img_classes.shape[0], dtype=jnp.int32)
    # param_fn is Identity (param_fn=None path)
    imgs = jnp.take(input_tensor, indices, axis=0)
    labels = jnp.take(img_classes, indices, axis=0)
    return (imgs, labels)

if __name__ == "__main__":
    import jax
    _d = setup_inputs()
    print(jax.jit(kernel)(*tuple(_d.values())))

</pallas_src>

<mosaic_0001>
#map = affine_map<(d0, d1) -> (0)>
module attributes {stable_mosaic.version = 14 : i64} {
  func.func @_sc_body(%arg0: i32, %arg1: i32, %arg2: memref<38535168xf32, #tpu.memory_space<hbm>>, %arg3: memref<256xi32, #tpu.memory_space<hbm>>, %arg4: memref<38535168xf32, #tpu.memory_space<hbm>>, %arg5: memref<256xi32, #tpu.memory_space<hbm>>, %arg6: memref<2x57344xf32, #tpu.memory_space<vmem>>, %arg7: memref<256xi32, #tpu.memory_space<vmem>>, %arg8: memref<!tpu.dma_semaphore, #tpu.memory_space<semaphore_mem>>, %arg9: memref<!tpu.dma_semaphore, #tpu.memory_space<semaphore_mem>>, %arg10: memref<!tpu.dma_semaphore, #tpu.memory_space<semaphore_mem>>, %arg11: memref<!tpu.dma_semaphore, #tpu.memory_space<semaphore_mem>>) attributes {dimension_semantics = [#tpu.dimension_semantics<core_parallel>, #tpu.dimension_semantics<subcore_parallel>], iteration_bounds = array<i64: 2, 16>, scalar_prefetch = 0 : i64, scratch_operands = 6 : i64, tpu.core_type = #tpu.core_type<sc_vector_subcore>, window_params = [{transform_indices = #map}, {transform_indices = #map}, {transform_indices = #map}, {transform_indices = #map}]} {
    %mul3A = arith.constant 2 : i32
    %mul3A_0 = arith.muli %arg1, %mul3A : i32
    %add3A = arith.addi %mul3A_0, %arg0 : i32
    %mul3A_1 = arith.constant 1204224 : i32
    %mul3A_2 = arith.muli %add3A, %mul3A_1 : i32
    %eq3A = arith.constant 0 : i32
    %eq3A_3 = arith.cmpi eq, %add3A, %eq3A : i32
    %convert_element_type3A = arith.extui %eq3A_3 : i1 to i32
    %cond3A = arith.constant 0 : i32
    %cond3A_4 = arith.cmpi ne, %convert_element_type3A, %cond3A : i32
    scf.if %cond3A_4 {
      "tpu.region"() ({
        %run_scoped3A = tpu.sem_alloc : memref<!tpu.dma_semaphore, #tpu.memory_space<semaphore_mem>>
        tpu.enqueue_dma source(%arg3 : memref<256xi32, #tpu.memory_space<hbm>>) target(%arg7 : memref<256xi32, #tpu.memory_space<vmem>>) target_semaphore(%run_scoped3A : memref<!tpu.dma_semaphore, #tpu.memory_space<semaphore_mem>>)
        tpu.wait_dma2 semaphore(%run_scoped3A : memref<!tpu.dma_semaphore, #tpu.memory_space<semaphore_mem>>) src(%arg3 : memref<256xi32, #tpu.memory_space<hbm>>) dst(%arg7 : memref<256xi32, #tpu.memory_space<vmem>>)
        tpu.yield
      }) : () -> ()
      "tpu.region"() ({
        %run_scoped3A = tpu.sem_alloc : memref<!tpu.dma_semaphore, #tpu.memory_space<semaphore_mem>>
        tpu.enqueue_dma source(%arg7 : memref<256xi32, #tpu.memory_space<vmem>>) target(%arg5 : memref<256xi32, #tpu.memory_space<hbm>>) target_semaphore(%run_scoped3A : memref<!tpu.dma_semaphore, #tpu.memory_space<semaphore_mem>>)
        tpu.wait_dma2 semaphore(%run_scoped3A : memref<!tpu.dma_semaphore, #tpu.memory_space<semaphore_mem>>) src(%arg7 : memref<256xi32, #tpu.memory_space<vmem>>) dst(%arg5 : memref<256xi32, #tpu.memory_space<hbm>>)
        tpu.yield
      }) : () -> ()
    } else {
    }
    %add3A_5 = arith.constant 0 : i32
    %add3A_6 = arith.addi %mul3A_2, %add3A_5 : i32
    %dma_start3A = arith.constant 0 : i32
    %dma_start3A_7 = arith.constant 0 : i32
    %dma_start3A_8 = tpu.memref_slice %arg6[%dma_start3A, %dma_start3A_7] : memref<2x57344xf32, #tpu.memory_space<vmem>> -> memref<1x57344xf32, #tpu.memory_space<vmem>>
    %dma_start3A_9 = tpu.memref_squeeze %dma_start3A_8 : memref<1x57344xf32, #tpu.memory_space<vmem>> -> memref<57344xf32, #tpu.memory_space<vmem>>
    %dma_start3A_10 = tpu.memref_slice %arg2[%add3A_6] : memref<38535168xf32, #tpu.memory_space<hbm>> -> memref<57344xf32, #tpu.memory_space<hbm>>
    %dma_start3A_11 = arith.constant 0 : i32
    %dma_start3A_12 = tpu.memref_slice %arg6[%dma_start3A, %dma_start3A_11] : memref<2x57344xf32, #tpu.memory_space<vmem>> -> memref<1x57344xf32, #tpu.memory_space<vmem>>
    %dma_start3A_13 = tpu.memref_squeeze %dma_start3A_12 : memref<1x57344xf32, #tpu.memory_space<vmem>> -> memref<57344xf32, #tpu.memory_space<vmem>>
    %dma_start3A_14 = tpu.memref_slice %arg2[%add3A_6] : memref<38535168xf32, #tpu.memory_space<hbm>> -> memref<57344xf32, #tpu.memory_space<hbm>>
    tpu.enqueue_dma source(%dma_start3A_14 : memref<57344xf32, #tpu.memory_space<hbm>>) target(%dma_start3A_13 : memref<57344xf32, #tpu.memory_space<vmem>>) target_semaphore(%arg8 : memref<!tpu.dma_semaphore, #tpu.memory_space<semaphore_mem>>)
    %add3A_15 = arith.constant 57344 : i32
    %add3A_16 = arith.addi %mul3A_2, %add3A_15 : i32
    %dma_start3A_17 = arith.constant 1 : i32
    %dma_start3A_18 = arith.constant 0 : i32
    %dma_start3A_19 = tpu.memref_slice %arg6[%dma_start3A_17, %dma_start3A_18] : memref<2x57344xf32, #tpu.memory_space<vmem>> -> memref<1x57344xf32, #tpu.memory_space<vmem>>
    %dma_start3A_20 = tpu.memref_squeeze %dma_start3A_19 : memref<1x57344xf32, #tpu.memory_space<vmem>> -> memref<57344xf32, #tpu.memory_space<vmem>>
    %dma_start3A_21 = tpu.memref_slice %arg2[%add3A_16] : memref<38535168xf32, #tpu.memory_space<hbm>> -> memref<57344xf32, #tpu.memory_space<hbm>>
    %dma_start3A_22 = arith.constant 0 : i32
    %dma_start3A_23 = tpu.memref_slice %arg6[%dma_start3A_17, %dma_start3A_22] : memref<2x57344xf32, #tpu.memory_space<vmem>> -> memref<1x57344xf32, #tpu.memory_space<vmem>>
    %dma_start3A_24 = tpu.memref_squeeze %dma_start3A_23 : memref<1x57344xf32, #tpu.memory_space<vmem>> -> memref<57344xf32, #tpu.memory_space<vmem>>
    %dma_start3A_25 = tpu.memref_slice %arg2[%add3A_16] : memref<38535168xf32, #tpu.memory_space<hbm>> -> memref<57344xf32, #tpu.memory_space<hbm>>
    tpu.enqueue_dma source(%dma_start3A_25 : memref<57344xf32, #tpu.memory_space<hbm>>) target(%dma_start3A_24 : memref<57344xf32, #tpu.memory_space<vmem>>) target_semaphore(%arg9 : memref<!tpu.dma_semaphore, #tpu.memory_space<semaphore_mem>>)
    %add3A_26 = arith.constant 0 : i32
    %add3A_27 = arith.addi %mul3A_2, %add3A_26 : i32
    %dma_wait3A = arith.constant 0 : i32
    %dma_wait3A_28 = arith.constant 0 : i32
    %dma_wait3A_29 = tpu.memref_slice %arg6[%dma_wait3A, %dma_wait3A_28] : memref<2x57344xf32, #tpu.memory_space<vmem>> -> memref<1x57344xf32, #tpu.memory_space<vmem>>
    %dma_wait3A_30 = tpu.memref_squeeze %dma_wait3A_29 : memref<1x57344xf32, #tpu.memory_space<vmem>> -> memref<57344xf32, #tpu.memory_space<vmem>>
    %dma_wait3A_31 = tpu.memref_slice %arg2[%add3A_27] : memref<38535168xf32, #tpu.memory_space<hbm>> -> memref<57344xf32, #tpu.memory_space<hbm>>
    %dma_wait3A_32 = arith.constant 0 : i32
    %dma_wait3A_33 = tpu.memref_slice %arg6[%dma_wait3A, %dma_wait3A_32] : memref<2x57344xf32, #tpu.memory_space<vmem>> -> memref<1x57344xf32, #tpu.memory_space<vmem>>
    %dma_wait3A_34 = tpu.memref_squeeze %dma_wait3A_33 : memref<1x57344xf32, #tpu.memory_space<vmem>> -> memref<57344xf32, #tpu.memory_space<vmem>>
    %dma_wait3A_35 = tpu.memref_slice %arg2[%add3A_27] : memref<38535168xf32, #tpu.memory_space<hbm>> -> memref<57344xf32, #tpu.memory_space<hbm>>
    tpu.wait_dma2 semaphore(%arg8 : memref<!tpu.dma_semaphore, #tpu.memory_space<semaphore_mem>>) src(%dma_wait3A_35 : memref<57344xf32, #tpu.memory_space<hbm>>) dst(%dma_wait3A_34 : memref<57344xf32, #tpu.memory_space<vmem>>)
    %add3A_36 = arith.constant 0 : i32
    %add3A_37 = arith.addi %mul3A_2, %add3A_36 : i32
    %dma_start3A_38 = arith.constant 0 : i32
    %dma_start3A_39 = arith.constant 0 : i32
    %dma_start3A_40 = tpu.memref_slice %arg6[%dma_start3A_38, %dma_start3A_39] : memref<2x57344xf32, #tpu.memory_space<vmem>> -> memref<1x57344xf32, #tpu.memory_space<vmem>>
    %dma_start3A_41 = tpu.memref_squeeze %dma_start3A_40 : memref<1x57344xf32, #tpu.memory_space<vmem>> -> memref<57344xf32, #tpu.memory_space<vmem>>
    %dma_start3A_42 = tpu.memref_slice %arg4[%add3A_37] : memref<38535168xf32, #tpu.memory_space<hbm>> -> memref<57344xf32, #tpu.memory_space<hbm>>
    %dma_start3A_43 = tpu.memref_slice %arg4[%add3A_37] : memref<38535168xf32, #tpu.memory_space<hbm>> -> memref<57344xf32, #tpu.memory_space<hbm>>
    %dma_start3A_44 = arith.constant 0 : i32
    %dma_start3A_45 = tpu.memref_slice %arg6[%dma_start3A_38, %dma_start3A_44] : memref<2x57344xf32, #tpu.memory_space<vmem>> -> memref<1x57344xf32, #tpu.memory_space<vmem>>
    %dma_start3A_46 = tpu.memref_squeeze %dma_start3A_45 : memref<1x57344xf32, #tpu.memory_space<vmem>> -> memref<57344xf32, #tpu.memory_space<vmem>>
    tpu.enqueue_dma source(%dma_start3A_46 : memref<57344xf32, #tpu.memory_space<vmem>>) target(%dma_start3A_43 : memref<57344xf32, #tpu.memory_space<hbm>>) target_semaphore(%arg10 : memref<!tpu.dma_semaphore, #tpu.memory_space<semaphore_mem>>)
    %add3A_47 = arith.constant 0 : i32
    %add3A_48 = arith.addi %mul3A_2, %add3A_47 : i32
    %dma_wait3A_49 = arith.constant 0 : i32
    %dma_wait3A_50 = arith.constant 0 : i32
    %dma_wait3A_51 = tpu.memref_slice %arg6[%dma_wait3A_49, %dma_wait3A_50] : memref<2x57344xf32, #tpu.memory_space<vmem>> -> memref<1x57344xf32, #tpu.memory_space<vmem>>
    %dma_wait3A_52 = tpu.memref_squeeze %dma_wait3A_51 : memref<1x57344xf32, #tpu.memory_space<vmem>> -> memref<57344xf32, #tpu.memory_space<vmem>>
    %dma_wait3A_53 = tpu.memref_slice %arg4[%add3A_48] : memref<38535168xf32, #tpu.memory_space<hbm>> -> memref<57344xf32, #tpu.memory_space<hbm>>
    %dma_wait3A_54 = tpu.memref_slice %arg4[%add3A_48] : memref<38535168xf32, #tpu.memory_space<hbm>> -> memref<57344xf32, #tpu.memory_space<hbm>>
    %dma_wait3A_55 = arith.constant 0 : i32
    %dma_wait3A_56 = tpu.memref_slice %arg6[%dma_wait3A_49, %dma_wait3A_55] : memref<2x57344xf32, #tpu.memory_space<vmem>> -> memref<1x57344xf32, #tpu.memory_space<vmem>>
    %dma_wait3A_57 = tpu.memref_squeeze %dma_wait3A_56 : memref<1x57344xf32, #tpu.memory_space<vmem>> -> memref<57344xf32, #tpu.memory_space<vmem>>
    tpu.wait_dma2 semaphore(%arg10 : memref<!tpu.dma_semaphore, #tpu.memory_space<semaphore_mem>>) src(%dma_wait3A_57 : memref<57344xf32, #tpu.memory_space<vmem>>) dst(%dma_wait3A_54 : memref<57344xf32, #tpu.memory_space<hbm>>)
    %add3A_58 = arith.constant 114688 : i32
    %add3A_59 = arith.addi %mul3A_2, %add3A_58 : i32
    %dma_start3A_60 = arith.constant 0 : i32
    %dma_start3A_61 = arith.constant 0 : i32
    %dma_start3A_62 = tpu.memref_slice %arg6[%dma_start3A_60, %dma_start3A_61] : memref<2x57344xf32, #tpu.memory_space<vmem>> -> memref<1x57344xf32, #tpu.memory_space<vmem>>
    %dma_start3A_63 = tpu.memref_squeeze %dma_start3A_62 : memref<1x57344xf32, #tpu.memory_space<vmem>> -> memref<57344xf32, #tpu.memory_space<vmem>>
    %dma_start3A_64 = tpu.memref_slice %arg2[%add3A_59] : memref<38535168xf32, #tpu.memory_space<hbm>> -> memref<57344xf32, #tpu.memory_space<hbm>>
    %dma_start3A_65 = arith.constant 0 : i32
    %dma_start3A_66 = tpu.memref_slice %arg6[%dma_start3A_60, %dma_start3A_65] : memref<2x57344xf32, #tpu.memory_space<vmem>> -> memref<1x57344xf32, #tpu.memory_space<vmem>>
    %dma_start3A_67 = tpu.memref_squeeze %dma_start3A_66 : memref<1x57344xf32, #tpu.memory_space<vmem>> -> memref<57344xf32, #tpu.memory_space<vmem>>
    %dma_start3A_68 = tpu.memref_slice %arg2[%add3A_59] : memref<38535168xf32, #tpu.memory_space<hbm>> -> memref<57344xf32, #tpu.memory_space<hbm>>
    tpu.enqueue_dma source(%dma_start3A_68 : memref<57344xf32, #tpu.memory_space<hbm>>) target(%dma_start3A_67 : memref<57344xf32, #tpu.memory_space<vmem>>) target_semaphore(%arg8 : memref<!tpu.dma_semaphore, #tpu.memory_space<semaphore_mem>>)
    %add3A_69 = arith.constant 57344 : i32
    %add3A_70 = arith.addi %mul3A_2, %add3A_69 : i32
    %dma_wait3A_71 = arith.constant 1 : i32
    %dma_wait3A_72 = arith.constant 0 : i32
    %dma_wait3A_73 = tpu.memref_slice %arg6[%dma_wait3A_71, %dma_wait3A_72] : memref<2x57344xf32, #tpu.memory_space<vmem>> -> memref<1x57344xf32, #tpu.memory_space<vmem>>
    %dma_wait3A_74 = tpu.memref_squeeze %dma_wait3A_73 : memref<1x57344xf32, #tpu.memory_space<vmem>> -> memref<57344xf32, #tpu.memory_space<vmem>>
    %dma_wait3A_75 = tpu.memref_slice %arg2[%add3A_70] : memref<38535168xf32, #tpu.memory_space<hbm>> -> memref<57344xf32, #tpu.memory_space<hbm>>
    %dma_wait3A_76 = arith.constant 0 : i32
    %dma_wait3A_77 = tpu.memref_slice %arg6[%dma_wait3A_71, %dma_wait3A_76] : memref<2x57344xf32, #tpu.memory_space<vmem>> -> memref<1x57344xf32, #tpu.memory_space<vmem>>
    %dma_wait3A_78 = tpu.memref_squeeze %dma_wait3A_77 : memref<1x57344xf32, #tpu.memory_space<vmem>> -> memref<57344xf32, #tpu.memory_space<vmem>>
    %dma_wait3A_79 = tpu.memref_slice %arg2[%add3A_70] : memref<38535168xf32, #tpu.memory_space<hbm>> -> memref<57344xf32, #tpu.memory_space<hbm>>
    tpu.wait_dma2 semaphore(%arg9 : memref<!tpu.dma_semaphore, #tpu.memory_space<semaphore_mem>>) src(%dma_wait3A_79 : memref<57344xf32, #tpu.memory_space<hbm>>) dst(%dma_wait3A_78 : memref<57344xf32, #tpu.memory_space<vmem>>)
    %add3A_80 = arith.constant 57344 : i32
    %add3A_81 = arith.addi %mul3A_2, %add3A_80 : i32
    %dma_start3A_82 = arith.constant 1 : i32
    %dma_start3A_83 = arith.constant 0 : i32
    %dma_start3A_84 = tpu.memref_slice %arg6[%dma_start3A_82, %dma_start3A_83] : memref<2x57344xf32, #tpu.memory_space<vmem>> -> memref<1x57344xf32, #tpu.memory_space<vmem>>
    %dma_start3A_85 = tpu.memref_squeeze %dma_start3A_84 : memref<1x57344xf32, #tpu.memory_space<vmem>> -> memref<57344xf32, #tpu.memory_space<vmem>>
    %dma_start3A_86 = tpu.memref_slice %arg4[%add3A_81] : memref<38535168xf32, #tpu.memory_space<hbm>> -> memref<57344xf32, #tpu.memory_space<hbm>>
    %dma_start3A_87 = tpu.memref_slice %arg4[%add3A_81] : memref<38535168xf32, #tpu.memory_space<hbm>> -> memref<57344xf32, #tpu.memory_space<hbm>>
    %dma_start3A_88 = arith.constant 0 : i32
    %dma_start3A_89 = tpu.memref_slice %arg6[%dma_start3A_82, %dma_start3A_88] : memref<2x57344xf32, #tpu.memory_space<vmem>> -> memref<1x57344xf32, #tpu.memory_space<vmem>>
    %dma_start3A_90 = tpu.memref_squeeze %dma_start3A_89 : memref<1x57344xf32, #tpu.memory_space<vmem>> -> memref<57344xf32, #tpu.memory_space<vmem>>
    tpu.enqueue_dma source(%dma_start3A_90 : memref<57344xf32, #tpu.memory_space<vmem>>) target(%dma_start3A_87 : memref<57344xf32, #tpu.memory_space<hbm>>) target_semaphore(%arg11 : memref<!tpu.dma_semaphore, #tpu.memory_space<semaphore_mem>>)
    %add3A_91 = arith.constant 57344 : i32
    %add3A_92 = arith.addi %mul3A_2, %add3A_91 : i32
    %dma_wait3A_93 = arith.constant 1 : i32
    %dma_wait3A_94 = arith.constant 0 : i32
    %dma_wait3A_95 = tpu.memref_slice %arg6[%dma_wait3A_93, %dma_wait3A_94] : memref<2x57344xf32, #tpu.memory_space<vmem>> -> memref<1x57344xf32, #tpu.memory_space<vmem>>
    %dma_wait3A_96 = tpu.memref_squeeze %dma_wait3A_95 : memref<1x57344xf32, #tpu.memory_space<vmem>> -> memref<57344xf32, #tpu.memory_space<vmem>>
    %dma_wait3A_97 = tpu.memref_slice %arg4[%add3A_92] : memref<38535168xf32, #tpu.memory_space<hbm>> -> memref<57344xf32, #tpu.memory_space<hbm>>
    %dma_wait3A_98 = tpu.memref_slice %arg4[%add3A_92] : memref<38535168xf32, #tpu.memory_space<hbm>> -> memref<57344xf32, #tpu.memory_space<hbm>>
    %dma_wait3A_99 = arith.constant 0 : i32
    %dma_wait3A_100 = tpu.memref_slice %arg6[%dma_wait3A_93, %dma_wait3A_99] : memref<2x57344xf32, #tpu.memory_space<vmem>> -> memref<1x57344xf32, #tpu.memory_space<vmem>>
    %dma_wait3A_101 = tpu.memref_squeeze %dma_wait3A_100 : memref<1x57344xf32, #tpu.memory_space<vmem>> -> memref<57344xf32, #tpu.memory_space<vmem>>
    tpu.wait_dma2 semaphore(%arg11 : memref<!tpu.dma_semaphore, #tpu.memory_space<semaphore_mem>>) src(%dma_wait3A_101 : memref<57344xf32, #tpu.memory_space<vmem>>) dst(%dma_wait3A_98 : memref<57344xf32, #tpu.memory_space<hbm>>)
    %add3A_102 = arith.constant 172032 : i32
    %add3A_103 = arith.addi %mul3A_2, %add3A_102 : i32
    %dma_start3A_104 = arith.constant 1 : i32
    %dma_start3A_105 = arith.constant 0 : i32
    %dma_start3A_106 = tpu.memref_slice %arg6[%dma_start3A_104, %dma_start3A_105] : memref<2x57344xf32, #tpu.memory_space<vmem>> -> memref<1x57344xf32, #tpu.memory_space<vmem>>
    %dma_start3A_107 = tpu.memref_squeeze %dma_start3A_106 : memref<1x57344xf32, #tpu.memory_space<vmem>> -> memref<57344xf32, #tpu.memory_space<vmem>>
    %dma_start3A_108 = tpu.memref_slice %arg2[%add3A_103] : memref<38535168xf32, #tpu.memory_space<hbm>> -> memref<57344xf32, #tpu.memory_space<hbm>>
    %dma_start3A_109 = arith.constant 0 : i32
    %dma_start3A_110 = tpu.memref_slice %arg6[%dma_start3A_104, %dma_start3A_109] : memref<2x57344xf32, #tpu.memory_space<vmem>> -> memref<1x57344xf32, #tpu.memory_space<vmem>>
    %dma_start3A_111 = tpu.memref_squeeze %dma_start3A_110 : memref<1x57344xf32, #tpu.memory_space<vmem>> -> memref<57344xf32, #tpu.memory_space<vmem>>
    %dma_start3A_112 = tpu.memref_slice %arg2[%add3A_103] : memref<38535168xf32, #tpu.memory_space<hbm>> -> memref<57344xf32, #tpu.memory_space<hbm>>
    tpu.enqueue_dma source(%dma_start3A_112 : memref<57344xf32, #tpu.memory_space<hbm>>) target(%dma_start3A_111 : memref<57344xf32, #tpu.memory_space<vmem>>) target_semaphore(%arg9 : memref<!tpu.dma_semaphore, #tpu.memory_space<semaphore_mem>>)
    %add3A_113 = arith.constant 114688 : i32
    %add3A_114 = arith.addi %mul3A_2, %add3A_113 : i32
    %dma_wait3A_115 = arith.constant 0 : i32
    %dma_wait3A_116 = arith.constant 0 : i32
    %dma_wait3A_117 = tpu.memref_slice %arg6[%dma_wait3A_115, %dma_wait3A_116] : memref<2x57344xf32, #tpu.memory_space<vmem>> -> memref<1x57344xf32, #tpu.memory_space<vmem>>
    %dma_wait3A_118 = tpu.memref_squeeze %dma_wait3A_117 : memref<1x57344xf32, #tpu.memory_space<vmem>> -> memref<57344xf32, #tpu.memory_space<vmem>>
    %dma_wait3A_119 = tpu.memref_slice %arg2[%add3A_114] : memref<38535168xf32, #tpu.memory_space<hbm>> -> memref<57344xf32, #tpu.memory_space<hbm>>
    %dma_wait3A_120 = arith.constant 0 : i32
    %dma_wait3A_121 = tpu.memref_slice %arg6[%dma_wait3A_115, %dma_wait3A_120] : memref<2x57344xf32, #tpu.memory_space<vmem>> -> memref<1x57344xf32, #tpu.memory_space<vmem>>
    %dma_wait3A_122 = tpu.memref_squeeze %dma_wait3A_121 : memref<1x57344xf32, #tpu.memory_space<vmem>> -> memref<57344xf32, #tpu.memory_space<vmem>>
    %dma_wait3A_123 = tpu.memref_slice %arg2[%add3A_114] : memref<38535168xf32, #tpu.memory_space<hbm>> -> memref<57344xf32, #tpu.memory_space<hbm>>
    tpu.wait_dma2 semaphore(%arg8 : memref<!tpu.dma_semaphore, #tpu.memory_space<semaphore_mem>>) src(%dma_wait3A_123 : memref<57344xf32, #tpu.memory_space<hbm>>) dst(%dma_wait3A_122 : memref<57344xf32, #tpu.memory_space<vmem>>)
    %add3A_124 = arith.constant 114688 : i32
    %add3A_125 = arith.addi %mul3A_2, %add3A_124 : i32
    %dma_start3A_126 = arith.constant 0 : i32
    %dma_start3A_127 = arith.constant 0 : i32
    %dma_start3A_128 = tpu.memref_slice %arg6[%dma_start3A_126, %dma_start3A_127] : memref<2x57344xf32, #tpu.memory_space<vmem>> -> memref<1x57344xf32, #tpu.memory_space<vmem>>
    %dma_start3A_129 = tpu.memref_squeeze %dma_start3A_128 : memref<1x57344xf32, #tpu.memory_space<vmem>> -> memref<57344xf32, #tpu.memory_space<vmem>>
    %dma_start3A_130 = tpu.memref_slice %arg4[%add3A_125] : memref<38535168xf32, #tpu.memory_space<hbm>> -> memref<57344xf32, #tpu.memory_space<hbm>>
    %dma_start3A_131 = tpu.memref_slice %arg4[%add3A_125] : memref<38535168xf32, #tpu.memory_space<hbm>> -> memref<57344xf32, #tpu.memory_space<hbm>>
    %dma_start3A_132 = arith.constant 0 : i32
    %dma_start3A_133 = tpu.memref_slice %arg6[%dma_start3A_126, %dma_start3A_132] : memref<2x57344xf32, #tpu.memory_space<vmem>> -> memref<1x57344xf32, #tpu.memory_space<vmem>>
    %dma_start3A_134 = tpu.memref_squeeze %dma_start3A_133 : memref<1x57344xf32, #tpu.memory_space<vmem>> -> memref<57344xf32, #tpu.memory_space<vmem>>
    tpu.enqueue_dma source(%dma_start3A_134 : memref<57344xf32, #tpu.memory_space<vmem>>) target(%dma_start3A_131 : memref<57344xf32, #tpu.memory_space<hbm>>) target_semaphore(%arg10 : memref<!tpu.dma_semaphore, #tpu.memory_space<semaphore_mem>>)
    %add3A_135 = arith.constant 114688 : i32
    %add3A_136 = arith.addi %mul3A_2, %add3A_135 : i32
    %dma_wait3A_137 = arith.constant 0 : i32
    %dma_wait3A_138 = arith.constant 0 : i32
    %dma_wait3A_139 = tpu.memref_slice %arg6[%dma_wait3A_137, %dma_wait3A_138] : memref<2x57344xf32, #tpu.memory_space<vmem>> -> memref<1x57344xf32, #tpu.memory_space<vmem>>
    %dma_wait3A_140 = tpu.memref_squeeze %dma_wait3A_139 : memref<1x57344xf32, #tpu.memory_space<vmem>> -> memref<57344xf32, #tpu.memory_space<vmem>>
    %dma_wait3A_141 = tpu.memref_slice %arg4[%add3A_136] : memref<38535168xf32, #tpu.memory_space<hbm>> -> memref<57344xf32, #tpu.memory_space<hbm>>
    %dma_wait3A_142 = tpu.memref_slice %arg4[%add3A_136] : memref<38535168xf32, #tpu.memory_space<hbm>> -> memref<57344xf32, #tpu.memory_space<hbm>>
    %dma_wait3A_143 = arith.constant 0 : i32
    %dma_wait3A_144 = tpu.memref_slice %arg6[%dma_wait3A_137, %dma_wait3A_143] : memref<2x57344xf32, #tpu.memory_space<vmem>> -> memref<1x57344xf32, #tpu.memory_space<vmem>>
    %dma_wait3A_145 = tpu.memref_squeeze %dma_wait3A_144 : memref<1x57344xf32, #tpu.memory_space<vmem>> -> memref<57344xf32, #tpu.memory_space<vmem>>
    tpu.wait_dma2 semaphore(%arg10 : memref<!tpu.dma_semaphore, #tpu.memory_space<semaphore_mem>>) src(%dma_wait3A_145 : memref<57344xf32, #tpu.memory_space<vmem>>) dst(%dma_wait3A_142 : memref<57344xf32, #tpu.memory_space<hbm>>)
    %add3A_146 = arith.constant 229376 : i32
    %add3A_147 = arith.addi %mul3A_2, %add3A_146 : i32
    %dma_start3A_148 = arith.constant 0 : i32
    %dma_start3A_149 = arith.constant 0 : i32
    %dma_start3A_150 = tpu.memref_slice %arg6[%dma_start3A_148, %dma_start3A_149] : memref<2x57344xf32, #tpu.memory_space<vmem>> -> memref<1x57344xf32, #tpu.memory_space<vmem>>
    %dma_start3A_151 = tpu.memref_squeeze %dma_start3A_150 : memref<1x57344xf32, #tpu.memory_space<vmem>> -> memref<57344xf32, #tpu.memory_space<vmem>>
    %dma_start3A_152 = tpu.memref_slice %arg2[%add3A_147] : memref<38535168xf32, #tpu.memory_space<hbm>> -> memref<57344xf32, #tpu.memory_space<hbm>>
    %dma_start3A_153 = arith.constant 0 : i32
    %dma_start3A_154 = tpu.memref_slice %arg6[%dma_start3A_148, %dma_start3A_153] : memref<2x57344xf32, #tpu.memory_space<vmem>> -> memref<1x57344xf32, #tpu.memory_space<vmem>>
    %dma_start3A_155 = tpu.memref_squeeze %dma_start3A_154 : memref<1x57344xf32, #tpu.memory_space<vmem>> -> memref<57344xf32, #tpu.memory_space<vmem>>
    %dma_start3A_156 = tpu.memref_slice %arg2[%add3A_147] : memref<38535168xf32, #tpu.memory_space<hbm>> -> memref<57344xf32, #tpu.memory_space<hbm>>
    tpu.enqueue_dma source(%dma_start3A_156 : memref<57344xf32, #tpu.memory_space<hbm>>) target(%dma_start3A_155 : memref<57344xf32, #tpu.memory_space<vmem>>) target_semaphore(%arg8 : memref<!tpu.dma_semaphore, #tpu.memory_space<semaphore_mem>>)
    %add3A_157 = arith.constant 172032 : i32
    %add3A_158 = arith.addi %mul3A_2, %add3A_157 : i32
    %dma_wait3A_159 = arith.constant 1 : i32
    %dma_wait3A_160 = arith.constant 0 : i32
    %dma_wait3A_161 = tpu.memref_slice %arg6[%dma_wait3A_159, %dma_wait3A_160] : memref<2x57344xf32, #tpu.memory_space<vmem>> -> memref<1x57344xf32, #tpu.memory_space<vmem>>
    %dma_wait3A_162 = tpu.memref_squeeze %dma_wait3A_161 : memref<1x57344xf32, #tpu.memory_space<vmem>> -> memref<57344xf32, #tpu.memory_space<vmem>>
    %dma_wait3A_163 = tpu.memref_slice %arg2[%add3A_158] : memref<38535168xf32, #tpu.memory_space<hbm>> -> memref<57344xf32, #tpu.memory_space<hbm>>
    %dma_wait3A_164 = arith.constant 0 : i32
    %dma_wait3A_165 = tpu.memref_slice %arg6[%dma_wait3A_159, %dma_wait3A_164] : memref<2x57344xf32, #tpu.memory_space<vmem>> -> memref<1x57344xf32, #tpu.memory_space<vmem>>
    %dma_wait3A_166 = tpu.memref_squeeze %dma_wait3A_165 : memref<1x57344xf32, #tpu.memory_space<vmem>> -> memref<57344xf32, #tpu.memory_space<vmem>>
    %dma_wait3A_167 = tpu.memref_slice %arg2[%add3A_158] : memref<38535168xf32, #tpu.memory_space<hbm>> -> memref<57344xf32, #tpu.memory_space<hbm>>
    tpu.wait_dma2 semaphore(%arg9 : memref<!tpu.dma_semaphore, #tpu.memory_space<semaphore_mem>>) src(%dma_wait3A_167 : memref<57344xf32, #tpu.memory_space<hbm>>) dst(%dma_wait3A_166 : memref<57344xf32, #tpu.memory_space<vmem>>)
    %add3A_168 = arith.constant 172032 : i32
    %add3A_169 = arith.addi %mul3A_2, %add3A_168 : i32
    %dma_start3A_170 = arith.constant 1 : i32
    %dma_start3A_171 = arith.constant 0 : i32
    %dma_start3A_172 = tpu.memref_slice %arg6[%dma_start3A_170, %dma_start3A_171] : memref<2x57344xf32, #tpu.memory_space<vmem>> -> memref<1x57344xf32, #tpu.memory_space<vmem>>
    %dma_start3A_173 = tpu.memref_squeeze %dma_start3A_172 : memref<1x57344xf32, #tpu.memory_space<vmem>> -> memref<57344xf32, #tpu.memory_space<vmem>>
    %dma_start3A_174 = tpu.memref_slice %arg4[%add3A_169] : memref<38535168xf32, #tpu.memory_space<hbm>> -> memref<57344xf32, #tpu.memory_space<hbm>>
    %dma_start3A_175 = tpu.memref_slice %arg4[%add3A_169] : memref<38535168xf32, #tpu.memory_space<hbm>> -> memref<57344xf32, #tpu.memory_space<hbm>>
    %dma_start3A_176 = arith.constant 0 : i32
    %dma_start3A_177 = tpu.memref_slice %arg6[%dma_start3A_170, %dma_start3A_176] : memref<2x57344xf32, #tpu.memory_space<vmem>> -> memref<1x57344xf32, #tpu.memory_space<vmem>>
    %dma_start3A_178 = tpu.memref_squeeze %dma_start3A_177 : memref<1x57344xf32, #tpu.memory_space<vmem>> -> memref<57344xf32, #tpu.memory_space<vmem>>
    tpu.enqueue_dma source(%dma_start3A_178 : memref<57344xf32, #tpu.memory_space<vmem>>) target(%dma_start3A_175 : memref<57344xf32, #tpu.memory_space<hbm>>) target_semaphore(%arg11 : memref<!tpu.dma_semaphore, #tpu.memory_space<semaphore_mem>>)
    %add3A_179 = arith.constant 172032 : i32
    %add3A_180 = arith.addi %mul3A_2, %add3A_179 : i32
    %dma_wait3A_181 = arith.constant 1 : i32
    %dma_wait3A_182 = arith.constant 0 : i32
    %dma_wait3A_183 = tpu.memref_slice %arg6[%dma_wait3A_181, %dma_wait3A_182] : memref<2x57344xf32, #tpu.memory_space<vmem>> -> memref<1x57344xf32, #tpu.memory_space<vmem>>
    %dma_wait3A_184 = tpu.memref_squeeze %dma_wait3A_183 : memref<1x57344xf32, #tpu.memory_space<vmem>> -> memref<57344xf32, #tpu.memory_space<vmem>>
    %dma_wait3A_185 = tpu.memref_slice %arg4[%add3A_180] : memref<38535168xf32, #tpu.memory_space<hbm>> -> memref<57344xf32, #tpu.memory_space<hbm>>
    %dma_wait3A_186 = tpu.memref_slice %arg4[%add3A_180] : memref<38535168xf32, #tpu.memory_space<hbm>> -> memref<57344xf32, #tpu.memory_space<hbm>>
    %dma_wait3A_187 = arith.constant 0 : i32
    %dma_wait3A_188 = tpu.memref_slice %arg6[%dma_wait3A_181, %dma_wait3A_187] : memref<2x57344xf32, #tpu.memory_space<vmem>> -> memref<1x57344xf32, #tpu.memory_space<vmem>>
    %dma_wait3A_189 = tpu.memref_squeeze %dma_wait3A_188 : memref<1x57344xf32, #tpu.memory_space<vmem>> -> memref<57344xf32, #tpu.memory_space<vmem>>
    tpu.wait_dma2 semaphore(%arg11 : memref<!tpu.dma_semaphore, #tpu.memory_space<semaphore_mem>>) src(%dma_wait3A_189 : memref<57344xf32, #tpu.memory_space<vmem>>) dst(%dma_wait3A_186 : memref<57344xf32, #tpu.memory_space<hbm>>)
    %add3A_190 = arith.constant 286720 : i32
    %add3A_191 = arith.addi %mul3A_2, %add3A_190 : i32
    %dma_start3A_192 = arith.constant 1 : i32
    %dma_start3A_193 = arith.constant 0 : i32
    %dma_start3A_194 = tpu.memref_slice %arg6[%dma_start3A_192, %dma_start3A_193] : memref<2x57344xf32, #tpu.memory_space<vmem>> -> memref<1x57344xf32, #tpu.memory_space<vmem>>
    %dma_start3A_195 = tpu.memref_squeeze %dma_start3A_194 : memref<1x57344xf32, #tpu.memory_space<vmem>> -> memref<57344xf32, #tpu.memory_space<vmem>>
    %dma_start3A_196 = tpu.memref_slice %arg2[%add3A_191] : memref<38535168xf32, #tpu.memory_space<hbm>> -> memref<57344xf32, #tpu.memory_space<hbm>>
    %dma_start3A_197 = arith.constant 0 : i32
    %dma_start3A_198 = tpu.memref_slice %arg6[%dma_start3A_192, %dma_start3A_197] : memref<2x57344xf32, #tpu.memory_space<vmem>> -> memref<1x57344xf32, #tpu.memory_space<vmem>>
    %dma_start3A_199 = tpu.memref_squeeze %dma_start3A_198 : memref<1x57344xf32, #tpu.memory_space<vmem>> -> memref<57344xf32, #tpu.memory_space<vmem>>
    %dma_start3A_200 = tpu.memref_slice %arg2[%add3A_191] : memref<38535168xf32, #tpu.memory_space<hbm>> -> memref<57344xf32, #tpu.memory_space<hbm>>
    tpu.enqueue_dma source(%dma_start3A_200 : memref<57344xf32, #tpu.memory_space<hbm>>) target(%dma_start3A_199 : memref<57344xf32, #tpu.memory_space<vmem>>) target_semaphore(%arg9 : memref<!tpu.dma_semaphore, #tpu.memory_space<semaphore_mem>>)
    %add3A_201 = arith.constant 229376 : i32
    %add3A_202 = arith.addi %mul3A_2, %add3A_201 : i32
    %dma_wait3A_203 = arith.constant 0 : i32
    %dma_wait3A_204 = arith.constant 0 : i32
    %dma_wait3A_205 = tpu.memref_slice %arg6[%dma_wait3A_203, %dma_wait3A_204] : memref<2x57344xf32, #tpu.memory_space<vmem>> -> memref<1x57344xf32, #tpu.memory_space<vmem>>
    %dma_wait3A_206 = tpu.memref_squeeze %dma_wait3A_205 : memref<1x57344xf32, #tpu.memory_space<vmem>> -> memref<57344xf32, #tpu.memory_space<vmem>>
    %dma_wait3A_207 = tpu.memref_slice %arg2[%add3A_202] : memref<38535168xf32, #tpu.memory_space<hbm>> -> memref<57344xf32, #tpu.memory_space<hbm>>
    %dma_wait3A_208 = arith.constant 0 : i32
    %dma_wait3A_209 = tpu.memref_slice %arg6[%dma_wait3A_203, %dma_wait3A_208] : memref<2x57344xf32, #tpu.memory_space<vmem>> -> memref<1x57344xf32, #tpu.memory_space<vmem>>
    %dma_wait3A_210 = tpu.memref_squeeze %dma_wait3A_209 : memref<1x57344xf32, #tpu.memory_space<vmem>> -> memref<57344xf32, #tpu.memory_space<vmem>>
    %dma_wait3A_211 = tpu.memref_slice %arg2[%add3A_202] : memref<38535168xf32, #tpu.memory_space<hbm>> -> memref<57344xf32, #tpu.memory_space<hbm>>
    tpu.wait_dma2 semaphore(%arg8 : memref<!tpu.dma_semaphore, #tpu.memory_space<semaphore_mem>>) src(%dma_wait3A_211 : memref<57344xf32, #tpu.memory_space<hbm>>) dst(%dma_wait3A_210 : memref<57344xf32, #tpu.memory_space<vmem>>)
    %add3A_212 = arith.constant 229376 : i32
    %add3A_213 = arith.addi %mul3A_2, %add3A_212 : i32
    %dma_start3A_214 = arith.constant 0 : i32
    %dma_start3A_215 = arith.constant 0 : i32
    %dma_start3A_216 = tpu.memref_slice %arg6[%dma_start3A_214, %dma_start3A_215] : memref<2x57344xf32, #tpu.memory_space<vmem>> -> memref<1x57344xf32, #tpu.memory_space<vmem>>
    %dma_start3A_217 = tpu.memref_squeeze %dma_start3A_216 : memref<1x57344xf32, #tpu.memory_space<vmem>> -> memref<57344xf32, #tpu.memory_space<vmem>>
    %dma_start3A_218 = tpu.memref_slice %arg4[%add3A_213] : memref<38535168xf32, #tpu.memory_space<hbm>> -> memref<57344xf32, #tpu.memory_space<hbm>>
    %dma_start3A_219 = tpu.memref_slice %arg4[%add3A_213] : memref<38535168xf32, #tpu.memory_space<hbm>> -> memref<57344xf32, #tpu.memory_space<hbm>>
    %dma_start3A_220 = arith.constant 0 : i32
    %dma_start3A_221 = tpu.memref_slice %arg6[%dma_start3A_214, %dma_start3A_220] : memref<2x57344xf32, #tpu.memory_space<vmem>> -> memref<1x57344xf32, #tpu.memory_space<vmem>>
    %dma_start3A_222 = tpu.memref_squeeze %dma_start3A_221 : memref<1x57344xf32, #tpu.memory_space<vmem>> -> memref<57344xf32, #tpu.memory_space<vmem>>
    tpu.enqueue_dma source(%dma_start3A_222 : memref<57344xf32, #tpu.memory_space<vmem>>) target(%dma_start3A_219 : memref<57344xf32, #tpu.memory_space<hbm>>) target_semaphore(%arg10 : memref<!tpu.dma_semaphore, #tpu.memory_space<semaphore_mem>>)
    %add3A_223 = arith.constant 229376 : i32
    %add3A_224 = arith.addi %mul3A_2, %add3A_223 : i32
    %dma_wait3A_225 = arith.constant 0 : i32
    %dma_wait3A_226 = arith.constant 0 : i32
    %dma_wait3A_227 = tpu.memref_slice %arg6[%dma_wait3A_225, %dma_wait3A_226] : memref<2x57344xf32, #tpu.memory_space<vmem>> -> memref<1x57344xf32, #tpu.memory_space<vmem>>
    %dma_wait3A_228 = tpu.memref_squeeze %dma_wait3A_227 : memref<1x57344xf32, #tpu.memory_space<vmem>> -> memref<57344xf32, #tpu.memory_space<vmem>>
    %dma_wait3A_229 = tpu.memref_slice %arg4[%add3A_224] : memref<38535168xf32, #tpu.memory_space<hbm>> -> memref<57344xf32, #tpu.memory_space<hbm>>
    %dma_wait3A_230 = tpu.memref_slice %arg4[%add3A_224] : memref<38535168xf32, #tpu.memory_space<hbm>> -> memref<57344xf32, #tpu.memory_space<hbm>>
    %dma_wait3A_231 = arith.constant 0 : i32
    %dma_wait3A_232 = tpu.memref_slice %arg6[%dma_wait3A_225, %dma_wait3A_231] : memref<2x57344xf32, #tpu.memory_space<vmem>> -> memref<1x57344xf32, #tpu.memory_space<vmem>>
    %dma_wait3A_233 = tpu.memref_squeeze %dma_wait3A_232 : memref<1x57344xf32, #tpu.memory_space<vmem>> -> memref<57344xf32, #tpu.memory_space<vmem>>
    tpu.wait_dma2 semaphore(%arg10 : memref<!tpu.dma_semaphore, #tpu.memory_space<semaphore_mem>>) src(%dma_wait3A_233 : memref<57344xf32, #tpu.memory_space<vmem>>) dst(%dma_wait3A_230 : memref<57344xf32, #tpu.memory_space<hbm>>)
    %add3A_234 = arith.constant 344064 : i32
    %add3A_235 = arith.addi %mul3A_2, %add3A_234 : i32
    %dma_start3A_236 = arith.constant 0 : i32
    %dma_start3A_237 = arith.constant 0 : i32
    %dma_start3A_238 = tpu.memref_slice %arg6[%dma_start3A_236, %dma_start3A_237] : memref<2x57344xf32, #tpu.memory_space<vmem>> -> memref<1x57344xf32, #tpu.memory_space<vmem>>
    %dma_start3A_239 = tpu.memref_squeeze %dma_start3A_238 : memref<1x57344xf32, #tpu.memory_space<vmem>> -> memref<57344xf32, #tpu.memory_space<vmem>>
    %dma_start3A_240 = tpu.memref_slice %arg2[%add3A_235] : memref<38535168xf32, #tpu.memory_space<hbm>> -> memref<57344xf32, #tpu.memory_space<hbm>>
    %dma_start3A_241 = arith.constant 0 : i32
    %dma_start3A_242 = tpu.memref_slice %arg6[%dma_start3A_236, %dma_start3A_241] : memref<2x57344xf32, #tpu.memory_space<vmem>> -> memref<1x57344xf32, #tpu.memory_space<vmem>>
    %dma_start3A_243 = tpu.memref_squeeze %dma_start3A_242 : memref<1x57344xf32, #tpu.memory_space<vmem>> -> memref<57344xf32, #tpu.memory_space<vmem>>
    %dma_start3A_244 = tpu.memref_slice %arg2[%add3A_235] : memref<38535168xf32, #tpu.memory_space<hbm>> -> memref<57344xf32, #tpu.memory_space<hbm>>
    tpu.enqueue_dma source(%dma_start3A_244 : memref<57344xf32, #tpu.memory_space<hbm>>) target(%dma_start3A_243 : memref<57344xf32, #tpu.memory_space<vmem>>) target_semaphore(%arg8 : memref<!tpu.dma_semaphore, #tpu.memory_space<semaphore_mem>>)
    %add3A_245 = arith.constant 286720 : i32
    %add3A_246 = arith.addi %mul3A_2, %add3A_245 : i32
    %dma_wait3A_247 = arith.constant 1 : i32
    %dma_wait3A_248 = arith.constant 0 : i32
    %dma_wait3A_249 = tpu.memref_slice %arg6[%dma_wait3A_247, %dma_wait3A_248] : memref<2x57344xf32, #tpu.memory_space<vmem>> -> memref<1x57344xf32, #tpu.memory_space<vmem>>
    %dma_wait3A_250 = tpu.memref_squeeze %dma_wait3A_249 : memref<1x57344xf32, #tpu.memory_space<vmem>> -> memref<57344xf32, #tpu.memory_space<vmem>>
    %dma_wait3A_251 = tpu.memref_slice %arg2[%add3A_246] : memref<38535168xf32, #tpu.memory_space<hbm>> -> memref<57344xf32, #tpu.memory_space<hbm>>
    %dma_wait3A_252 = arith.constant 0 : i32
    %dma_wait3A_253 = tpu.memref_slice %arg6[%dma_wait3A_247, %dma_wait3A_252] : memref<2x57344xf32, #tpu.memory_space<vmem>> -> memref<1x57344xf32, #tpu.memory_space<vmem>>
    %dma_wait3A_254 = tpu.memref_squeeze %dma_wait3A_253 : memref<1x57344xf32, #tpu.memory_space<vmem>> -> memref<57344xf32, #tpu.memory_space<vmem>>
    %dma_wait3A_255 = tpu.memref_slice %arg2[%add3A_246] : memref<38535168xf32, #tpu.memory_space<hbm>> -> memref<57344xf32, #tpu.memory_space<hbm>>
    tpu.wait_dma2 semaphore(%arg9 : memref<!tpu.dma_semaphore, #tpu.memory_space<semaphore_mem>>) src(%dma_wait3A_255 : memref<57344xf32, #tpu.memory_space<hbm>>) dst(%dma_wait3A_254 : memref<57344xf32, #tpu.memory_space<vmem>>)
    %add3A_256 = arith.constant 286720 : i32
    %add3A_257 = arith.addi %mul3A_2, %add3A_256 : i32
    %dma_start3A_258 = arith.constant 1 : i32
    %dma_start3A_259 = arith.constant 0 : i32
    %dma_start3A_260 = tpu.memref_slice %arg6[%dma_start3A_258, %dma_start3A_259] : memref<2x57344xf32, #tpu.memory_space<vmem>> -> memref<1x57344xf32, #tpu.memory_space<vmem>>
    %dma_start3A_261 = tpu.memref_squeeze %dma_start3A_260 : memref<1x57344xf32, #tpu.memory_space<vmem>> -> memref<57344xf32, #tpu.memory_space<vmem>>
    %dma_start3A_262 = tpu.memref_slice %arg4[%add3A_257] : memref<38535168xf32, #tpu.memory_space<hbm>> -> memref<57344xf32, #tpu.memory_space<hbm>>
    %dma_start3A_263 = tpu.memref_slice %arg4[%add3A_257] : memref<38535168xf32, #tpu.memory_space<hbm>> -> memref<57344xf32, #tpu.memory_space<hbm>>
    %dma_start3A_264 = arith.constant 0 : i32
    %dma_start3A_265 = tpu.memref_slice %arg6[%dma_start3A_258, %dma_start3A_264] : memref<2x57344xf32, #tpu.memory_space<vmem>> -> memref<1x57344xf32, #tpu.memory_space<vmem>>
    %dma_start3A_266 = tpu.memref_squeeze %dma_start3A_265 : memref<1x57344xf32, #tpu.memory_space<vmem>> -> memref<57344xf32, #tpu.memory_space<vmem>>
    tpu.enqueue_dma source(%dma_start3A_266 : memref<57344xf32, #tpu.memory_space<vmem>>) target(%dma_start3A_263 : memref<57344xf32, #tpu.memory_space<hbm>>) target_semaphore(%arg11 : memref<!tpu.dma_semaphore, #tpu.memory_space<semaphore_mem>>)
    %add3A_267 = arith.constant 286720 : i32
    %add3A_268 = arith.addi %mul3A_2, %add3A_267 : i32
    %dma_wait3A_269 = arith.constant 1 : i32
    %dma_wait3A_270 = arith.constant 0 : i32
    %dma_wait3A_271 = tpu.memref_slice %arg6[%dma_wait3A_269, %dma_wait3A_270] : memref<2x57344xf32, #tpu.memory_space<vmem>> -> memref<1x57344xf32, #tpu.memory_space<vmem>>
    %dma_wait3A_272 = tpu.memref_squeeze %dma_wait3A_271 : memref<1x57344xf32, #tpu.memory_space<vmem>> -> memref<57344xf32, #tpu.memory_space<vmem>>
    %dma_wait3A_273 = tpu.memref_slice %arg4[%add3A_268] : memref<38535168xf32, #tpu.memory_space<hbm>> -> memref<57344xf32, #tpu.memory_space<hbm>>
    %dma_wait3A_274 = tpu.memref_slice %arg4[%add3A_268] : memref<38535168xf32, #tpu.memory_space<hbm>> -> memref<57344xf32, #tpu.memory_space<hbm>>
    %dma_wait3A_275 = arith.constant 0 : i32
    %dma_wait3A_276 = tpu.memref_slice %arg6[%dma_wait3A_269, %dma_wait3A_275] : memref<2x57344xf32, #tpu.memory_space<vmem>> -> memref<1x57344xf32, #tpu.memory_space<vmem>>
    %dma_wait3A_277 = tpu.memref_squeeze %dma_wait3A_276 : memref<1x57344xf32, #tpu.memory_space<vmem>> -> memref<57344xf32, #tpu.memory_space<vmem>>
    tpu.wait_dma2 semaphore(%arg11 : memref<!tpu.dma_semaphore, #tpu.memory_space<semaphore_mem>>) src(%dma_wait3A_277 : memref<57344xf32, #tpu.memory_space<vmem>>) dst(%dma_wait3A_274 : memref<57344xf32, #tpu.memory_space<hbm>>)
    %add3A_278 = arith.constant 401408 : i32
    %add3A_279 = arith.addi %mul3A_2, %add3A_278 : i32
    %dma_start3A_280 = arith.constant 1 : i32
    %dma_start3A_281 = arith.constant 0 : i32
    %dma_start3A_282 = tpu.memref_slice %arg6[%dma_start3A_280, %dma_start3A_281] : memref<2x57344xf32, #tpu.memory_space<vmem>> -> memref<1x57344xf32, #tpu.memory_space<vmem>>
    %dma_start3A_283 = tpu.memref_squeeze %dma_start3A_282 : memref<1x57344xf32, #tpu.memory_space<vmem>> -> memref<57344xf32, #tpu.memory_space<vmem>>
    %dma_start3A_284 = tpu.memref_slice %arg2[%add3A_279] : memref<38535168xf32, #tpu.memory_space<hbm>> -> memref<57344xf32, #tpu.memory_space<hbm>>
    %dma_start3A_285 = arith.constant 0 : i32
    %dma_start3A_286 = tpu.memref_slice %arg6[%dma_start3A_280, %dma_start3A_285] : memref<2x57344xf32, #tpu.memory_space<vmem>> -> memref<1x57344xf32, #tpu.memory_space<vmem>>
    %dma_start3A_287 = tpu.memref_squeeze %dma_start3A_286 : memref<1x57344xf32, #tpu.memory_space<vmem>> -> memref<57344xf32, #tpu.memory_space<vmem>>
    %dma_start3A_288 = tpu.memref_slice %arg2[%add3A_279] : memref<38535168xf32, #tpu.memory_space<hbm>> -> memref<57344xf32, #tpu.memory_space<hbm>>
    tpu.enqueue_dma source(%dma_start3A_288 : memref<57344xf32, #tpu.memory_space<hbm>>) target(%dma_start3A_287 : memref<57344xf32, #tpu.memory_space<vmem>>) target_semaphore(%arg9 : memref<!tpu.dma_semaphore, #tpu.memory_space<semaphore_mem>>)
    %add3A_289 = arith.constant 344064 : i32
    %add3A_290 = arith.addi %mul3A_2, %add3A_289 : i32
    %dma_wait3A_291 = arith.constant 0 : i32
    %dma_wait3A_292 = arith.constant 0 : i32
    %dma_wait3A_293 = tpu.memref_slice %arg6[%dma_wait3A_291, %dma_wait3A_292] : memref<2x57344xf32, #tpu.memory_space<vmem>> -> memref<1x57344xf32, #tpu.memory_space<vmem>>
    %dma_wait3A_294 = tpu.memref_squeeze %dma_wait3A_293 : memref<1x57344xf32, #tpu.memory_space<vmem>> -> memref<57344xf32, #tpu.memory_space<vmem>>
    %dma_wait3A_295 = tpu.memref_slice %arg2[%add3A_290] : memref<38535168xf32, #tpu.memory_space<hbm>> -> memref<57344xf32, #tpu.memory_space<hbm>>
    %dma_wait3A_296 = arith.constant 0 : i32
    %dma_wait3A_297 = tpu.memref_slice %arg6[%dma_wait3A_291, %dma_wait3A_296] : memref<2x57344xf32, #tpu.memory_space<vmem>> -> memref<1x57344xf32, #tpu.memory_space<vmem>>
    %dma_wait3A_298 = tpu.memref_squeeze %dma_wait3A_297 : memref<1x57344xf32, #tpu.memory_space<vmem>> -> memref<57344xf32, #tpu.memory_space<vmem>>
    %dma_wait3A_299 = tpu.memref_slice %arg2[%add3A_290] : memref<38535168xf32, #tpu.memory_space<hbm>> -> memref<57344xf32, #tpu.memory_space<hbm>>
    tpu.wait_dma2 semaphore(%arg8 : memref<!tpu.dma_semaphore, #tpu.memory_space<semaphore_mem>>) src(%dma_wait3A_299 : memref<57344xf32, #tpu.memory_space<hbm>>) dst(%dma_wait3A_298 : memref<57344xf32, #tpu.memory_space<vmem>>)
    %add3A_300 = arith.constant 344064 : i32
    %add3A_301 = arith.addi %mul3A_2, %add3A_300 : i32
    %dma_start3A_302 = arith.constant 0 : i32
    %dma_start3A_303 = arith.constant 0 : i32
    %dma_start3A_304 = tpu.memref_slice %arg6[%dma_start3A_302, %dma_start3A_303] : memref<2x57344xf32, #tpu.memory_space<vmem>> -> memref<1x57344xf32, #tpu.memory_space<vmem>>
    %dma_start3A_305 = tpu.memref_squeeze %dma_start3A_304 : memref<1x57344xf32, #tpu.memory_space<vmem>> -> memref<57344xf32, #tpu.memory_space<vmem>>
    %dma_start3A_306 = tpu.memref_slice %arg4[%add3A_301] : memref<38535168xf32, #tpu.memory_space<hbm>> -> memref<57344xf32, #tpu.memory_space<hbm>>
    %dma_start3A_307 = tpu.memref_slice %arg4[%add3A_301] : memref<38535168xf32, #tpu.memory_space<hbm>> -> memref<57344xf32, #tpu.memory_space<hbm>>
    %dma_start3A_308 = arith.constant 0 : i32
    %dma_start3A_309 = tpu.memref_slice %arg6[%dma_start3A_302, %dma_start3A_308] : memref<2x57344xf32, #tpu.memory_space<vmem>> -> memref<1x57344xf32, #tpu.memory_space<vmem>>
    %dma_start3A_310 = tpu.memref_squeeze %dma_start3A_309 : memref<1x57344xf32, #tpu.memory_space<vmem>> -> memref<57344xf32, #tpu.memory_space<vmem>>
    tpu.enqueue_dma source(%dma_start3A_310 : memref<57344xf32, #tpu.memory_space<vmem>>) target(%dma_start3A_307 : memref<57344xf32, #tpu.memory_space<hbm>>) target_semaphore(%arg10 : memref<!tpu.dma_semaphore, #tpu.memory_space<semaphore_mem>>)
    %add3A_311 = arith.constant 344064 : i32
    %add3A_312 = arith.addi %mul3A_2, %add3A_311 : i32
    %dma_wait3A_313 = arith.constant 0 : i32
    %dma_wait3A_314 = arith.constant 0 : i32
    %dma_wait3A_315 = tpu.memref_slice %arg6[%dma_wait3A_313, %dma_wait3A_314] : memref<2x57344xf32, #tpu.memory_space<vmem>> -> memref<1x57344xf32, #tpu.memory_space<vmem>>
    %dma_wait3A_316 = tpu.memref_squeeze %dma_wait3A_315 : memref<1x57344xf32, #tpu.memory_space<vmem>> -> memref<57344xf32, #tpu.memory_space<vmem>>
    %dma_wait3A_317 = tpu.memref_slice %arg4[%add3A_312] : memref<38535168xf32, #tpu.memory_space<hbm>> -> memref<57344xf32, #tpu.memory_space<hbm>>
    %dma_wait3A_318 = tpu.memref_slice %arg4[%add3A_312] : memref<38535168xf32, #tpu.memory_space<hbm>> -> memref<57344xf32, #tpu.memory_space<hbm>>
    %dma_wait3A_319 = arith.constant 0 : i32
    %dma_wait3A_320 = tpu.memref_slice %arg6[%dma_wait3A_313, %dma_wait3A_319] : memref<2x57344xf32, #tpu.memory_space<vmem>> -> memref<1x57344xf32, #tpu.memory_space<vmem>>
    %dma_wait3A_321 = tpu.memref_squeeze %dma_wait3A_320 : memref<1x57344xf32, #tpu.memory_space<vmem>> -> memref<57344xf32, #tpu.memory_space<vmem>>
    tpu.wait_dma2 semaphore(%arg10 : memref<!tpu.dma_semaphore, #tpu.memory_space<semaphore_mem>>) src(%dma_wait3A_321 : memref<57344xf32, #tpu.memory_space<vmem>>) dst(%dma_wait3A_318 : memref<57344xf32, #tpu.memory_space<hbm>>)
    %add3A_322 = arith.constant 458752 : i32
    %add3A_323 = arith.addi %mul3A_2, %add3A_322 : i32
    %dma_start3A_324 = arith.constant 0 : i32
    %dma_start3A_325 = arith.constant 0 : i32
    %dma_start3A_326 = tpu.memref_slice %arg6[%dma_start3A_324, %dma_start3A_325] : memref<2x57344xf32, #tpu.memory_space<vmem>> -> memref<1x57344xf32, #tpu.memory_space<vmem>>
    %dma_start3A_327 = tpu.memref_squeeze %dma_start3A_326 : memref<1x57344xf32, #tpu.memory_space<vmem>> -> memref<57344xf32, #tpu.memory_space<vmem>>
    %dma_start3A_328 = tpu.memref_slice %arg2[%add3A_323] : memref<38535168xf32, #tpu.memory_space<hbm>> -> memref<57344xf32, #tpu.memory_space<hbm>>
    %dma_start3A_329 = arith.constant 0 : i32
    %dma_start3A_330 = tpu.memref_slice %arg6[%dma_start3A_324, %dma_start3A_329] : memref<2x57344xf32, #tpu.memory_space<vmem>> -> memref<1x57344xf32, #tpu.memory_space<vmem>>
    %dma_start3A_331 = tpu.memref_squeeze %dma_start3A_330 : memref<1x57344xf32, #tpu.memory_space<vmem>> -> memref<57344xf32, #tpu.memory_space<vmem>>
    %dma_start3A_332 = tpu.memref_slice %arg2[%add3A_323] : memref<38535168xf32, #tpu.memory_space<hbm>> -> memref<57344xf32, #tpu.memory_space<hbm>>
    tpu.enqueue_dma source(%dma_start3A_332 : memref<57344xf32, #tpu.memory_space<hbm>>) target(%dma_start3A_331 : memref<57344xf32, #tpu.memory_space<vmem>>) target_semaphore(%arg8 : memref<!tpu.dma_semaphore, #tpu.memory_space<semaphore_mem>>)
    %add3A_333 = arith.constant 401408 : i32
    %add3A_334 = arith.addi %mul3A_2, %add3A_333 : i32
    %dma_wait3A_335 = arith.constant 1 : i32
    %dma_wait3A_336 = arith.constant 0 : i32
    %dma_wait3A_337 = tpu.memref_slice %arg6[%dma_wait3A_335, %dma_wait3A_336] : memref<2x57344xf32, #tpu.memory_space<vmem>> -> memref<1x57344xf32, #tpu.memory_space<vmem>>
    %dma_wait3A_338 = tpu.memref_squeeze %dma_wait3A_337 : memref<1x57344xf32, #tpu.memory_space<vmem>> -> memref<57344xf32, #tpu.memory_space<vmem>>
    %dma_wait3A_339 = tpu.memref_slice %arg2[%add3A_334] : memref<38535168xf32, #tpu.memory_space<hbm>> -> memref<57344xf32, #tpu.memory_space<hbm>>
    %dma_wait3A_340 = arith.constant 0 : i32
    %dma_wait3A_341 = tpu.memref_slice %arg6[%dma_wait3A_335, %dma_wait3A_340] : memref<2x57344xf32, #tpu.memory_space<vmem>> -> memref<1x57344xf32, #tpu.memory_space<vmem>>
    %dma_wait3A_342 = tpu.memref_squeeze %dma_wait3A_341 : memref<1x57344xf32, #tpu.memory_space<vmem>> -> memref<57344xf32, #tpu.memory_space<vmem>>
    %dma_wait3A_343 = tpu.memref_slice %arg2[%add3A_334] : memref<38535168xf32, #tpu.memory_space<hbm>> -> memref<57344xf32, #tpu.memory_space<hbm>>
    tpu.wait_dma2 semaphore(%arg9 : memref<!tpu.dma_semaphore, #tpu.memory_space<semaphore_mem>>) src(%dma_wait3A_343 : memref<57344xf32, #tpu.memory_space<hbm>>) dst(%dma_wait3A_342 : memref<57344xf32, #tpu.memory_space<vmem>>)
    %add3A_344 = arith.constant 401408 : i32
    %add3A_345 = arith.addi %mul3A_2, %add3A_344 : i32
    %dma_start3A_346 = arith.constant 1 : i32
    %dma_start3A_347 = arith.constant 0 : i32
    %dma_start3A_348 = tpu.memref_slice %arg6[%dma_start3A_346, %dma_start3A_347] : memref<2x57344xf32, #tpu.memory_space<vmem>> -> memref<1x57344xf32, #tpu.memory_space<vmem>>
    %dma_start3A_349 = tpu.memref_squeeze %dma_start3A_348 : memref<1x57344xf32, #tpu.memory_space<vmem>> -> memref<57344xf32, #tpu.memory_space<vmem>>
    %dma_start3A_350 = tpu.memref_slice %arg4[%add3A_345] : memref<38535168xf32, #tpu.memory_space<hbm>> -> memref<57344xf32, #tpu.memory_space<hbm>>
    %dma_start3A_351 = tpu.memref_slice %arg4[%add3A_345] : memref<38535168xf32, #tpu.memory_space<hbm>> -> memref<57344xf32, #tpu.memory_space<hbm>>
    %dma_start3A_352 = arith.constant 0 : i32
    %dma_start3A_353 = tpu.memref_slice %arg6[%dma_start3A_346, %dma_start3A_352] : memref<2x57344xf32, #tpu.memory_space<vmem>> -> memref<1x57344xf32, #tpu.memory_space<vmem>>
    %dma_start3A_354 = tpu.memref_squeeze %dma_start3A_353 : memref<1x57344xf32, #tpu.memory_space<vmem>> -> memref<57344xf32, #tpu.memory_space<vmem>>
    tpu.enqueue_dma source(%dma_start3A_354 : memref<57344xf32, #tpu.memory_space<vmem>>) target(%dma_start3A_351 : memref<57344xf32, #tpu.memory_space<hbm>>) target_semaphore(%arg11 : memref<!tpu.dma_semaphore, #tpu.memory_space<semaphore_mem>>)
    %add3A_355 = arith.constant 401408 : i32
    %add3A_356 = arith.addi %mul3A_2, %add3A_355 : i32
    %dma_wait3A_357 = arith.constant 1 : i32
    %dma_wait3A_358 = arith.constant 0 : i32
    %dma_wait3A_359 = tpu.memref_slice %arg6[%dma_wait3A_357, %dma_wait3A_358] : memref<2x57344xf32, #tpu.memory_space<vmem>> -> memref<1x57344xf32, #tpu.memory_space<vmem>>
    %dma_wait3A_360 = tpu.memref_squeeze %dma_wait3A_359 : memref<1x57344xf32, #tpu.memory_space<vmem>> -> memref<57344xf32, #tpu.memory_space<vmem>>
    %dma_wait3A_361 = tpu.memref_slice %arg4[%add3A_356] : memref<38535168xf32, #tpu.memory_space<hbm>> -> memref<57344xf32, #tpu.memory_space<hbm>>
    %dma_wait3A_362 = tpu.memref_slice %arg4[%add3A_356] : memref<38535168xf32, #tpu.memory_space<hbm>> -> memref<57344xf32, #tpu.memory_space<hbm>>
    %dma_wait3A_363 = arith.constant 0 : i32
    %dma_wait3A_364 = tpu.memref_slice %arg6[%dma_wait3A_357, %dma_wait3A_363] : memref<2x57344xf32, #tpu.memory_space<vmem>> -> memref<1x57344xf32, #tpu.memory_space<vmem>>
    %dma_wait3A_365 = tpu.memref_squeeze %dma_wait3A_364 : memref<1x57344xf32, #tpu.memory_space<vmem>> -> memref<57344xf32, #tpu.memory_space<vmem>>
    tpu.wait_dma2 semaphore(%arg11 : memref<!tpu.dma_semaphore, #tpu.memory_space<semaphore_mem>>) src(%dma_wait3A_365 : memref<57344xf32, #tpu.memory_space<vmem>>) dst(%dma_wait3A_362 : memref<57344xf32, #tpu.memory_space<hbm>>)
    %add3A_366 = arith.constant 516096 : i32
    %add3A_367 = arith.addi %mul3A_2, %add3A_366 : i32
    %dma_start3A_368 = arith.constant 1 : i32
    %dma_start3A_369 = arith.constant 0 : i32
    %dma_start3A_370 = tpu.memref_slice %arg6[%dma_start3A_368, %dma_start3A_369] : memref<2x57344xf32, #tpu.memory_space<vmem>> -> memref<1x57344xf32, #tpu.memory_space<vmem>>
    %dma_start3A_371 = tpu.memref_squeeze %dma_start3A_370 : memref<1x57344xf32, #tpu.memory_space<vmem>> -> memref<57344xf32, #tpu.memory_space<vmem>>
    %dma_start3A_372 = tpu.memref_slice %arg2[%add3A_367] : memref<38535168xf32, #tpu.memory_space<hbm>> -> memref<57344xf32, #tpu.memory_space<hbm>>
    %dma_start3A_373 = arith.constant 0 : i32
    %dma_start3A_374 = tpu.memref_slice %arg6[%dma_start3A_368, %dma_start3A_373] : memref<2x57344xf32, #tpu.memory_space<vmem>> -> memref<1x57344xf32, #tpu.memory_space<vmem>>
    %dma_start3A_375 = tpu.memref_squeeze %dma_start3A_374 : memref<1x57344xf32, #tpu.memory_space<vmem>> -> memref<57344xf32, #tpu.memory_space<vmem>>
    %dma_start3A_376 = tpu.memref_slice %arg2[%add3A_367] : memref<38535168xf32, #tpu.memory_space<hbm>> -> memref<57344xf32, #tpu.memory_space<hbm>>
    tpu.enqueue_dma source(%dma_start3A_376 : memref<57344xf32, #tpu.memory_space<hbm>>) target(%dma_start3A_375 : memref<57344xf32, #tpu.memory_space<vmem>>) target_semaphore(%arg9 : memref<!tpu.dma_semaphore, #tpu.memory_space<semaphore_mem>>)
    %add3A_377 = arith.constant 458752 : i32
    %add3A_378 = arith.addi %mul3A_2, %add3A_377 : i32
    %dma_wait3A_379 = arith.constant 0 : i32
    %dma_wait3A_380 = arith.constant 0 : i32
    %dma_wait3A_381 = tpu.memref_slice %arg6[%dma_wait3A_379, %dma_wait3A_380] : memref<2x57344xf32, #tpu.memory_space<vmem>> -> memref<1x57344xf32, #tpu.memory_space<vmem>>
    %dma_wait3A_382 = tpu.memref_squeeze %dma_wait3A_381 : memref<1x57344xf32, #tpu.memory_space<vmem>> -> memref<57344xf32, #tpu.memory_space<vmem>>
    %dma_wait3A_383 = tpu.memref_slice %arg2[%add3A_378] : memref<38535168xf32, #tpu.memory_space<hbm>> -> memref<57344xf32, #tpu.memory_space<hbm>>
    %dma_wait3A_384 = arith.constant 0 : i32
    %dma_wait3A_385 = tpu.memref_slice %arg6[%dma_wait3A_379, %dma_wait3A_384] : memref<2x57344xf32, #tpu.memory_space<vmem>> -> memref<1x57344xf32, #tpu.memory_space<vmem>>
    %dma_wait3A_386 = tpu.memref_squeeze %dma_wait3A_385 : memref<1x57344xf32, #tpu.memory_space<vmem>> -> memref<57344xf32, #tpu.memory_space<vmem>>
    %dma_wait3A_387 = tpu.memref_slice %arg2[%add3A_378] : memref<38535168xf32, #tpu.memory_space<hbm>> -> memref<57344xf32, #tpu.memory_space<hbm>>
    tpu.wait_dma2 semaphore(%arg8 : memref<!tpu.dma_semaphore, #tpu.memory_space<semaphore_mem>>) src(%dma_wait3A_387 : memref<57344xf32, #tpu.memory_space<hbm>>) dst(%dma_wait3A_386 : memref<57344xf32, #tpu.memory_space<vmem>>)
    %add3A_388 = arith.constant 458752 : i32
    %add3A_389 = arith.addi %mul3A_2, %add3A_388 : i32
    %dma_start3A_390 = arith.constant 0 : i32
    %dma_start3A_391 = arith.constant 0 : i32
    %dma_start3A_392 = tpu.memref_slice %arg6[%dma_start3A_390, %dma_start3A_391] : memref<2x57344xf32, #tpu.memory_space<vmem>> -> memref<1x57344xf32, #tpu.memory_space<vmem>>
    %dma_start3A_393 = tpu.memref_squeeze %dma_start3A_392 : memref<1x57344xf32, #tpu.memory_space<vmem>> -> memref<57344xf32, #tpu.memory_space<vmem>>
    %dma_start3A_394 = tpu.memref_slice %arg4[%add3A_389] : memref<38535168xf32, #tpu.memory_space<hbm>> -> memref<57344xf32, #tpu.memory_space<hbm>>
    %dma_start3A_395 = tpu.memref_slice %arg4[%add3A_389] : memref<38535168xf32, #tpu.memory_space<hbm>> -> memref<57344xf32, #tpu.memory_space<hbm>>
    %dma_start3A_396 = arith.constant 0 : i32
    %dma_start3A_397 = tpu.memref_slice %arg6[%dma_start3A_390, %dma_start3A_396] : memref<2x57344xf32, #tpu.memory_space<vmem>> -> memref<1x57344xf32, #tpu.memory_space<vmem>>
    %dma_start3A_398 = tpu.memref_squeeze %dma_start3A_397 : memref<1x57344xf32, #tpu.memory_space<vmem>> -> memref<57344xf32, #tpu.memory_space<vmem>>
    tpu.enqueue_dma source(%dma_start3A_398 : memref<57344xf32, #tpu.memory_space<vmem>>) target(%dma_start3A_395 : memref<57344xf32, #tpu.memory_space<hbm>>) target_semaphore(%arg10 : memref<!tpu.dma_semaphore, #tpu.memory_space<semaphore_mem>>)
    %add3A_399 = arith.constant 458752 : i32
    %add3A_400 = arith.addi %mul3A_2, %add3A_399 : i32
    %dma_wait3A_401 = arith.constant 0 : i32
    %dma_wait3A_402 = arith.constant 0 : i32
    %dma_wait3A_403 = tpu.memref_slice %arg6[%dma_wait3A_401, %dma_wait3A_402] : memref<2x57344xf32, #tpu.memory_space<vmem>> -> memref<1x57344xf32, #tpu.memory_space<vmem>>
    %dma_wait3A_404 = tpu.memref_squeeze %dma_wait3A_403 : memref<1x57344xf32, #tpu.memory_space<vmem>> -> memref<57344xf32, #tpu.memory_space<vmem>>
    %dma_wait3A_405 = tpu.memref_slice %arg4[%add3A_400] : memref<38535168xf32, #tpu.memory_space<hbm>> -> memref<57344xf32, #tpu.memory_space<hbm>>
    %dma_wait3A_406 = tpu.memref_slice %arg4[%add3A_400] : memref<38535168xf32, #tpu.memory_space<hbm>> -> memref<57344xf32, #tpu.memory_space<hbm>>
    %dma_wait3A_407 = arith.constant 0 : i32
    %dma_wait3A_408 = tpu.memref_slice %arg6[%dma_wait3A_401, %dma_wait3A_407] : memref<2x57344xf32, #tpu.memory_space<vmem>> -> memref<1x57344xf32, #tpu.memory_space<vmem>>
    %dma_wait3A_409 = tpu.memref_squeeze %dma_wait3A_408 : memref<1x57344xf32, #tpu.memory_space<vmem>> -> memref<57344xf32, #tpu.memory_space<vmem>>
    tpu.wait_dma2 semaphore(%arg10 : memref<!tpu.dma_semaphore, #tpu.memory_space<semaphore_mem>>) src(%dma_wait3A_409 : memref<57344xf32, #tpu.memory_space<vmem>>) dst(%dma_wait3A_406 : memref<57344xf32, #tpu.memory_space<hbm>>)
    %add3A_410 = arith.constant 573440 : i32
    %add3A_411 = arith.addi %mul3A_2, %add3A_410 : i32
    %dma_start3A_412 = arith.constant 0 : i32
    %dma_start3A_413 = arith.constant 0 : i32
    %dma_start3A_414 = tpu.memref_slice %arg6[%dma_start3A_412, %dma_start3A_413] : memref<2x57344xf32, #tpu.memory_space<vmem>> -> memref<1x57344xf32, #tpu.memory_space<vmem>>
    %dma_start3A_415 = tpu.memref_squeeze %dma_start3A_414 : memref<1x57344xf32, #tpu.memory_space<vmem>> -> memref<57344xf32, #tpu.memory_space<vmem>>
    %dma_start3A_416 = tpu.memref_slice %arg2[%add3A_411] : memref<38535168xf32, #tpu.memory_space<hbm>> -> memref<57344xf32, #tpu.memory_space<hbm>>
    %dma_start3A_417 = arith.constant 0 : i32
    %dma_start3A_418 = tpu.memref_slice %arg6[%dma_start3A_412, %dma_start3A_417] : memref<2x57344xf32, #tpu.memory_space<vmem>> -> memref<1x57344xf32, #tpu.memory_space<vmem>>
    %dma_start3A_419 = tpu.memref_squeeze %dma_start3A_418 : memref<1x57344xf32, #tpu.memory_space<vmem>> -> memref<57344xf32, #tpu.memory_space<vmem>>
    %dma_start3A_420 = tpu.memref_slice %arg2[%add3A_411] : memref<38535168xf32, #tpu.memory_space<hbm>> -> memref<57344xf32, #tpu.memory_space<hbm>>
    tpu.enqueue_dma source(%dma_start3A_420 : memref<57344xf32, #tpu.memory_space<hbm>>) target(%dma_start3A_419 : memref<57344xf32, #tpu.memory_space<vmem>>) target_semaphore(%arg8 : memref<!tpu.dma_semaphore, #tpu.memory_space<semaphore_mem>>)
    %add3A_421 = arith.constant 516096 : i32
    %add3A_422 = arith.addi %mul3A_2, %add3A_421 : i32
    %dma_wait3A_423 = arith.constant 1 : i32
    %dma_wait3A_424 = arith.constant 0 : i32
    %dma_wait3A_425 = tpu.memref_slice %arg6[%dma_wait3A_423, %dma_wait3A_424] : memref<2x57344xf32, #tpu.memory_space<vmem>> -> memref<1x57344xf32, #tpu.memory_space<vmem>>
    %dma_wait3A_426 = tpu.memref_squeeze %dma_wait3A_425 : memref<1x57344xf32, #tpu.memory_space<vmem>> -> memref<57344xf32, #tpu.memory_space<vmem>>
    %dma_wait3A_427 = tpu.memref_slice %arg2[%add3A_422] : memref<38535168xf32, #tpu.memory_space<hbm>> -> memref<57344xf32, #tpu.memory_space<hbm>>
    %dma_wait3A_428 = arith.constant 0 : i32
    %dma_wait3A_429 = tpu.memref_slice %arg6[%dma_wait3A_423, %dma_wait3A_428] : memref<2x57344xf32, #tpu.memory_space<vmem>> -> memref<1x57344xf32, #tpu.memory_space<vmem>>
    %dma_wait3A_430 = tpu.memref_squeeze %dma_wait3A_429 : memref<1x57344xf32, #tpu.memory_space<vmem>> -> memref<57344xf32, #tpu.memory_space<vmem>>
    %dma_wait3A_431 = tpu.memref_slice %arg2[%add3A_422] : memref<38535168xf32, #tpu.memory_space<hbm>> -> memref<57344xf32, #tpu.memory_space<hbm>>
    tpu.wait_dma2 semaphore(%arg9 : memref<!tpu.dma_semaphore, #tpu.memory_space<semaphore_mem>>) src(%dma_wait3A_431 : memref<57344xf32, #tpu.memory_space<hbm>>) dst(%dma_wait3A_430 : memref<57344xf32, #tpu.memory_space<vmem>>)
    %add3A_432 = arith.constant 516096 : i32
    %add3A_433 = arith.addi %mul3A_2, %add3A_432 : i32
    %dma_start3A_434 = arith.constant 1 : i32
    %dma_start3A_435 = arith.constant 0 : i32
    %dma_start3A_436 = tpu.memref_slice %arg6[%dma_start3A_434, %dma_start3A_435] : memref<2x57344xf32, #tpu.memory_space<vmem>> -> memref<1x57344xf32, #tpu.memory_space<vmem>>
    %dma_start3A_437 = tpu.memref_squeeze %dma_start3A_436 : memref<1x57344xf32, #tpu.memory_space<vmem>> -> memref<57344xf32, #tpu.memory_space<vmem>>
    %dma_start3A_438 = tpu.memref_slice %arg4[%add3A_433] : memref<38535168xf32, #tpu.memory_space<hbm>> -> memref<57344xf32, #tpu.memory_space<hbm>>
    %dma_start3A_439 = tpu.memref_slice %arg4[%add3A_433] : memref<38535168xf32, #tpu.memory_space<hbm>> -> memref<57344xf32, #tpu.memory_space<hbm>>
    %dma_start3A_440 = arith.constant 0 : i32
    %dma_start3A_441 = tpu.memref_slice %arg6[%dma_start3A_434, %dma_start3A_440] : memref<2x57344xf32, #tpu.memory_space<vmem>> -> memref<1x57344xf32, #tpu.memory_space<vmem>>
    %dma_start3A_442 = tpu.memref_squeeze %dma_start3A_441 : memref<1x57344xf32, #tpu.memory_space<vmem>> -> memref<57344xf32, #tpu.memory_space<vmem>>
    tpu.enqueue_dma source(%dma_start3A_442 : memref<57344xf32, #tpu.memory_space<vmem>>) target(%dma_start3A_439 : memref<57344xf32, #tpu.memory_space<hbm>>) target_semaphore(%arg11 : memref<!tpu.dma_semaphore, #tpu.memory_space<semaphore_mem>>)
    %add3A_443 = arith.constant 516096 : i32
    %add3A_444 = arith.addi %mul3A_2, %add3A_443 : i32
    %dma_wait3A_445 = arith.constant 1 : i32
    %dma_wait3A_446 = arith.constant 0 : i32
    %dma_wait3A_447 = tpu.memref_slice %arg6[%dma_wait3A_445, %dma_wait3A_446] : memref<2x57344xf32, #tpu.memory_space<vmem>> -> memref<1x57344xf32, #tpu.memory_space<vmem>>
    %dma_wait3A_448 = tpu.memref_squeeze %dma_wait3A_447 : memref<1x57344xf32, #tpu.memory_space<vmem>> -> memref<57344xf32, #tpu.memory_space<vmem>>
    %dma_wait3A_449 = tpu.memref_slice %arg4[%add3A_444] : memref<38535168xf32, #tpu.memory_space<hbm>> -> memref<57344xf32, #tpu.memory_space<hbm>>
    %dma_wait3A_450 = tpu.memref_slice %arg4[%add3A_444] : memref<38535168xf32, #tpu.memory_space<hbm>> -> memref<57344xf32, #tpu.memory_space<hbm>>
    %dma_wait3A_451 = arith.constant 0 : i32
    %dma_wait3A_452 = tpu.memref_slice %arg6[%dma_wait3A_445, %dma_wait3A_451] : memref<2x57344xf32, #tpu.memory_space<vmem>> -> memref<1x57344xf32, #tpu.memory_space<vmem>>
    %dma_wait3A_453 = tpu.memref_squeeze %dma_wait3A_452 : memref<1x57344xf32, #tpu.memory_space<vmem>> -> memref<57344xf32, #tpu.memory_space<vmem>>
    tpu.wait_dma2 semaphore(%arg11 : memref<!tpu.dma_semaphore, #tpu.memory_space<semaphore_mem>>) src(%dma_wait3A_453 : memref<57344xf32, #tpu.memory_space<vmem>>) dst(%dma_wait3A_450 : memref<57344xf32, #tpu.memory_space<hbm>>)
    %add3A_454 = arith.constant 630784 : i32
    %add3A_455 = arith.addi %mul3A_2, %add3A_454 : i32
    %dma_start3A_456 = arith.constant 1 : i32
    %dma_start3A_457 = arith.constant 0 : i32
    %dma_start3A_458 = tpu.memref_slice %arg6[%dma_start3A_456, %dma_start3A_457] : memref<2x57344xf32, #tpu.memory_space<vmem>> -> memref<1x57344xf32, #tpu.memory_space<vmem>>
    %dma_start3A_459 = tpu.memref_squeeze %dma_start3A_458 : memref<1x57344xf32, #tpu.memory_space<vmem>> -> memref<57344xf32, #tpu.memory_space<vmem>>
    %dma_start3A_460 = tpu.memref_slice %arg2[%add3A_455] : memref<38535168xf32, #tpu.memory_space<hbm>> -> memref<57344xf32, #tpu.memory_space<hbm>>
    %dma_start3A_461 = arith.constant 0 : i32
    %dma_start3A_462 = tpu.memref_slice %arg6[%dma_start3A_456, %dma_start3A_461] : memref<2x57344xf32, #tpu.memory_space<vmem>> -> memref<1x57344xf32, #tpu.memory_space<vmem>>
    %dma_start3A_463 = tpu.memref_squeeze %dma_start3A_462 : memref<1x57344xf32, #tpu.memory_space<vmem>> -> memref<57344xf32, #tpu.memory_space<vmem>>
    %dma_start3A_464 = tpu.memref_slice %arg2[%add3A_455] : memref<38535168xf32, #tpu.memory_space<hbm>> -> memref<57344xf32, #tpu.memory_space<hbm>>
    tpu.enqueue_dma source(%dma_start3A_464 : memref<57344xf32, #tpu.memory_space<hbm>>) target(%dma_start3A_463 : memref<57344xf32, #tpu.memory_space<vmem>>) target_semaphore(%arg9 : memref<!tpu.dma_semaphore, #tpu.memory_space<semaphore_mem>>)
    %add3A_465 = arith.constant 573440 : i32
    %add3A_466 = arith.addi %mul3A_2, %add3A_465 : i32
    %dma_wait3A_467 = arith.constant 0 : i32
    %dma_wait3A_468 = arith.constant 0 : i32
    %dma_wait3A_469 = tpu.memref_slice %arg6[%dma_wait3A_467, %dma_wait3A_468] : memref<2x57344xf32, #tpu.memory_space<vmem>> -> memref<1x57344xf32, #tpu.memory_space<vmem>>
    %dma_wait3A_470 = tpu.memref_squeeze %dma_wait3A_469 : memref<1x57344xf32, #tpu.memory_space<vmem>> -> memref<57344xf32, #tpu.memory_space<vmem>>
    %dma_wait3A_471 = tpu.memref_slice %arg2[%add3A_466] : memref<38535168xf32, #tpu.memory_space<hbm>> -> memref<57344xf32, #tpu.memory_space<hbm>>
    %dma_wait3A_472 = arith.constant 0 : i32
    %dma_wait3A_473 = tpu.memref_slice %arg6[%dma_wait3A_467, %dma_wait3A_472] : memref<2x57344xf32, #tpu.memory_space<vmem>> -> memref<1x57344xf32, #tpu.memory_space<vmem>>
    %dma_wait3A_474 = tpu.memref_squeeze %dma_wait3A_473 : memref<1x57344xf32, #tpu.memory_space<vmem>> -> memref<57344xf32, #tpu.memory_space<vmem>>
    %dma_wait3A_475 = tpu.memref_slice %arg2[%add3A_466] : memref<38535168xf32, #tpu.memory_space<hbm>> -> memref<57344xf32, #tpu.memory_space<hbm>>
    tpu.wait_dma2 semaphore(%arg8 : memref<!tpu.dma_semaphore, #tpu.memory_space<semaphore_mem>>) src(%dma_wait3A_475 : memref<57344xf32, #tpu.memory_space<hbm>>) dst(%dma_wait3A_474 : memref<57344xf32, #tpu.memory_space<vmem>>)
    %add3A_476 = arith.constant 573440 : i32
    %add3A_477 = arith.addi %mul3A_2, %add3A_476 : i32
    %dma_start3A_478 = arith.constant 0 : i32
    %dma_start3A_479 = arith.constant 0 : i32
    %dma_start3A_480 = tpu.memref_slice %arg6[%dma_start3A_478, %dma_start3A_479] : memref<2x57344xf32, #tpu.memory_space<vmem>> -> memref<1x57344xf32, #tpu.memory_space<vmem>>
    %dma_start3A_481 = tpu.memref_squeeze %dma_start3A_480 : memref<1x57344xf32, #tpu.memory_space<vmem>> -> memref<57344xf32, #tpu.memory_space<vmem>>
    %dma_start3A_482 = tpu.memref_slice %arg4[%add3A_477] : memref<38535168xf32, #tpu.memory_space<hbm>> -> memref<57344xf32, #tpu.memory_space<hbm>>
    %dma_start3A_483 = tpu.memref_slice %arg4[%add3A_477] : memref<38535168xf32, #tpu.memory_space<hbm>> -> memref<57344xf32, #tpu.memory_space<hbm>>
    %dma_start3A_484 = arith.constant 0 : i32
    %dma_start3A_485 = tpu.memref_slice %arg6[%dma_start3A_478, %dma_start3A_484] : memref<2x57344xf32, #tpu.memory_space<vmem>> -> memref<1x57344xf32, #tpu.memory_space<vmem>>
    %dma_start3A_486 = tpu.memref_squeeze %dma_start3A_485 : memref<1x57344xf32, #tpu.memory_space<vmem>> -> memref<57344xf32, #tpu.memory_space<vmem>>
    tpu.enqueue_dma source(%dma_start3A_486 : memref<57344xf32, #tpu.memory_space<vmem>>) target(%dma_start3A_483 : memref<57344xf32, #tpu.memory_space<hbm>>) target_semaphore(%arg10 : memref<!tpu.dma_semaphore, #tpu.memory_space<semaphore_mem>>)
    %add3A_487 = arith.constant 573440 : i32
    %add3A_488 = arith.addi %mul3A_2, %add3A_487 : i32
    %dma_wait3A_489 = arith.constant 0 : i32
    %dma_wait3A_490 = arith.constant 0 : i32
    %dma_wait3A_491 = tpu.memref_slice %arg6[%dma_wait3A_489, %dma_wait3A_490] : memref<2x57344xf32, #tpu.memory_space<vmem>> -> memref<1x57344xf32, #tpu.memory_space<vmem>>
    %dma_wait3A_492 = tpu.memref_squeeze %dma_wait3A_491 : memref<1x57344xf32, #tpu.memory_space<vmem>> -> memref<57344xf32, #tpu.memory_space<vmem>>
    %dma_wait3A_493 = tpu.memref_slice %arg4[%add3A_488] : memref<38535168xf32, #tpu.memory_space<hbm>> -> memref<57344xf32, #tpu.memory_space<hbm>>
    %dma_wait3A_494 = tpu.memref_slice %arg4[%add3A_488] : memref<38535168xf32, #tpu.memory_space<hbm>> -> memref<57344xf32, #tpu.memory_space<hbm>>
    %dma_wait3A_495 = arith.constant 0 : i32
    %dma_wait3A_496 = tpu.memref_slice %arg6[%dma_wait3A_489, %dma_wait3A_495] : memref<2x57344xf32, #tpu.memory_space<vmem>> -> memref<1x57344xf32, #tpu.memory_space<vmem>>
    %dma_wait3A_497 = tpu.memref_squeeze %dma_wait3A_496 : memref<1x57344xf32, #tpu.memory_space<vmem>> -> memref<57344xf32, #tpu.memory_space<vmem>>
    tpu.wait_dma2 semaphore(%arg10 : memref<!tpu.dma_semaphore, #tpu.memory_space<semaphore_mem>>) src(%dma_wait3A_497 : memref<57344xf32, #tpu.memory_space<vmem>>) dst(%dma_wait3A_494 : memref<57344xf32, #tpu.memory_space<hbm>>)
    %add3A_498 = arith.constant 688128 : i32
    %add3A_499 = arith.addi %mul3A_2, %add3A_498 : i32
    %dma_start3A_500 = arith.constant 0 : i32
    %dma_start3A_501 = arith.constant 0 : i32
    %dma_start3A_502 = tpu.memref_slice %arg6[%dma_start3A_500, %dma_start3A_501] : memref<2x57344xf32, #tpu.memory_space<vmem>> -> memref<1x57344xf32, #tpu.memory_space<vmem>>
    %dma_start3A_503 = tpu.memref_squeeze %dma_start3A_502 : memref<1x57344xf32, #tpu.memory_space<vmem>> -> memref<57344xf32, #tpu.memory_space<vmem>>
    %dma_start3A_504 = tpu.memref_slice %arg2[%add3A_499] : memref<38535168xf32, #tpu.memory_space<hbm>> -> memref<57344xf32, #tpu.memory_space<hbm>>
    %dma_start3A_505 = arith.constant 0 : i32
    %dma_start3A_506 = tpu.memref_slice %arg6[%dma_start3A_500, %dma_start3A_505] : memref<2x57344xf32, #tpu.memory_space<vmem>> -> memref<1x57344xf32, #tpu.memory_space<vmem>>
    %dma_start3A_507 = tpu.memref_squeeze %dma_start3A_506 : memref<1x57344xf32, #tpu.memory_space<vmem>> -> memref<57344xf32, #tpu.memory_space<vmem>>
    %dma_start3A_508 = tpu.memref_slice %arg2[%add3A_499] : memref<38535168xf32, #tpu.memory_space<hbm>> -> memref<57344xf32, #tpu.memory_space<hbm>>
    tpu.enqueue_dma source(%dma_start3A_508 : memref<57344xf32, #tpu.memory_space<hbm>>) target(%dma_start3A_507 : memref<57344xf32, #tpu.memory_space<vmem>>) target_semaphore(%arg8 : memref<!tpu.dma_semaphore, #tpu.memory_space<semaphore_mem>>)
    %add3A_509 = arith.constant 630784 : i32
    %add3A_510 = arith.addi %mul3A_2, %add3A_509 : i32
    %dma_wait3A_511 = arith.constant 1 : i32
    %dma_wait3A_512 = arith.constant 0 : i32
    %dma_wait3A_513 = tpu.memref_slice %arg6[%dma_wait3A_511, %dma_wait3A_512] : memref<2x57344xf32, #tpu.memory_space<vmem>> -> memref<1x57344xf32, #tpu.memory_space<vmem>>
    %dma_wait3A_514 = tpu.memref_squeeze %dma_wait3A_513 : memref<1x57344xf32, #tpu.memory_space<vmem>> -> memref<57344xf32, #tpu.memory_space<vmem>>
    %dma_wait3A_515 = tpu.memref_slice %arg2[%add3A_510] : memref<38535168xf32, #tpu.memory_space<hbm>> -> memref<57344xf32, #tpu.memory_space<hbm>>
    %dma_wait3A_516 = arith.constant 0 : i32
    %dma_wait3A_517 = tpu.memref_slice %arg6[%dma_wait3A_511, %dma_wait3A_516] : memref<2x57344xf32, #tpu.memory_space<vmem>> -> memref<1x57344xf32, #tpu.memory_space<vmem>>
    %dma_wait3A_518 = tpu.memref_squeeze %dma_wait3A_517 : memref<1x57344xf32, #tpu.memory_space<vmem>> -> memref<57344xf32, #tpu.memory_space<vmem>>
    %dma_wait3A_519 = tpu.memref_slice %arg2[%add3A_510] : memref<38535168xf32, #tpu.memory_space<hbm>> -> memref<57344xf32, #tpu.memory_space<hbm>>
    tpu.wait_dma2 semaphore(%arg9 : memref<!tpu.dma_semaphore, #tpu.memory_space<semaphore_mem>>) src(%dma_wait3A_519 : memref<57344xf32, #tpu.memory_space<hbm>>) dst(%dma_wait3A_518 : memref<57344xf32, #tpu.memory_space<vmem>>)
    %add3A_520 = arith.constant 630784 : i32
    %add3A_521 = arith.addi %mul3A_2, %add3A_520 : i32
    %dma_start3A_522 = arith.constant 1 : i32
    %dma_start3A_523 = arith.constant 0 : i32
    %dma_start3A_524 = tpu.memref_slice %arg6[%dma_start3A_522, %dma_start3A_523] : memref<2x57344xf32, #tpu.memory_space<vmem>> -> memref<1x57344xf32, #tpu.memory_space<vmem>>
    %dma_start3A_525 = tpu.memref_squeeze %dma_start3A_524 : memref<1x57344xf32, #tpu.memory_space<vmem>> -> memref<57344xf32, #tpu.memory_space<vmem>>
    %dma_start3A_526 = tpu.memref_slice %arg4[%add3A_521] : memref<38535168xf32, #tpu.memory_space<hbm>> -> memref<57344xf32, #tpu.memory_space<hbm>>
    %dma_start3A_527 = tpu.memref_slice %arg4[%add3A_521] : memref<38535168xf32, #tpu.memory_space<hbm>> -> memref<57344xf32, #tpu.memory_space<hbm>>
    %dma_start3A_528 = arith.constant 0 : i32
    %dma_start3A_529 = tpu.memref_slice %arg6[%dma_start3A_522, %dma_start3A_528] : memref<2x57344xf32, #tpu.memory_space<vmem>> -> memref<1x57344xf32, #tpu.memory_space<vmem>>
    %dma_start3A_530 = tpu.memref_squeeze %dma_start3A_529 : memref<1x57344xf32, #tpu.memory_space<vmem>> -> memref<57344xf32, #tpu.memory_space<vmem>>
    tpu.enqueue_dma source(%dma_start3A_530 : memref<57344xf32, #tpu.memory_space<vmem>>) target(%dma_start3A_527 : memref<57344xf32, #tpu.memory_space<hbm>>) target_semaphore(%arg11 : memref<!tpu.dma_semaphore, #tpu.memory_space<semaphore_mem>>)
    %add3A_531 = arith.constant 630784 : i32
    %add3A_532 = arith.addi %mul3A_2, %add3A_531 : i32
    %dma_wait3A_533 = arith.constant 1 : i32
    %dma_wait3A_534 = arith.constant 0 : i32
    %dma_wait3A_535 = tpu.memref_slice %arg6[%dma_wait3A_533, %dma_wait3A_534] : memref<2x57344xf32, #tpu.memory_space<vmem>> -> memref<1x57344xf32, #tpu.memory_space<vmem>>
    %dma_wait3A_536 = tpu.memref_squeeze %dma_wait3A_535 : memref<1x57344xf32, #tpu.memory_space<vmem>> -> memref<57344xf32, #tpu.memory_space<vmem>>
    %dma_wait3A_537 = tpu.memref_slice %arg4[%add3A_532] : memref<38535168xf32, #tpu.memory_space<hbm>> -> memref<57344xf32, #tpu.memory_space<hbm>>
    %dma_wait3A_538 = tpu.memref_slice %arg4[%add3A_532] : memref<38535168xf32, #tpu.memory_space<hbm>> -> memref<57344xf32, #tpu.memory_space<hbm>>
    %dma_wait3A_539 = arith.constant 0 : i32
    %dma_wait3A_540 = tpu.memref_slice %arg6[%dma_wait3A_533, %dma_wait3A_539] : memref<2x57344xf32, #tpu.memory_space<vmem>> -> memref<1x57344xf32, #tpu.memory_space<vmem>>
    %dma_wait3A_541 = tpu.memref_squeeze %dma_wait3A_540 : memref<1x57344xf32, #tpu.memory_space<vmem>> -> memref<57344xf32, #tpu.memory_space<vmem>>
    tpu.wait_dma2 semaphore(%arg11 : memref<!tpu.dma_semaphore, #tpu.memory_space<semaphore_mem>>) src(%dma_wait3A_541 : memref<57344xf32, #tpu.memory_space<vmem>>) dst(%dma_wait3A_538 : memref<57344xf32, #tpu.memory_space<hbm>>)
    %add3A_542 = arith.constant 745472 : i32
    %add3A_543 = arith.addi %mul3A_2, %add3A_542 : i32
    %dma_start3A_544 = arith.constant 1 : i32
    %dma_start3A_545 = arith.constant 0 : i32
    %dma_start3A_546 = tpu.memref_slice %arg6[%dma_start3A_544, %dma_start3A_545] : memref<2x57344xf32, #tpu.memory_space<vmem>> -> memref<1x57344xf32, #tpu.memory_space<vmem>>
    %dma_start3A_547 = tpu.memref_squeeze %dma_start3A_546 : memref<1x57344xf32, #tpu.memory_space<vmem>> -> memref<57344xf32, #tpu.memory_space<vmem>>
    %dma_start3A_548 = tpu.memref_slice %arg2[%add3A_543] : memref<38535168xf32, #tpu.memory_space<hbm>> -> memref<57344xf32, #tpu.memory_space<hbm>>
    %dma_start3A_549 = arith.constant 0 : i32
    %dma_start3A_550 = tpu.memref_slice %arg6[%dma_start3A_544, %dma_start3A_549] : memref<2x57344xf32, #tpu.memory_space<vmem>> -> memref<1x57344xf32, #tpu.memory_space<vmem>>
    %dma_start3A_551 = tpu.memref_squeeze %dma_start3A_550 : memref<1x57344xf32, #tpu.memory_space<vmem>> -> memref<57344xf32, #tpu.memory_space<vmem>>
    %dma_start3A_552 = tpu.memref_slice %arg2[%add3A_543] : memref<38535168xf32, #tpu.memory_space<hbm>> -> memref<57344xf32, #tpu.memory_space<hbm>>
    tpu.enqueue_dma source(%dma_start3A_552 : memref<57344xf32, #tpu.memory_space<hbm>>) target(%dma_start3A_551 : memref<57344xf32, #tpu.memory_space<vmem>>) target_semaphore(%arg9 : memref<!tpu.dma_semaphore, #tpu.memory_space<semaphore_mem>>)
    %add3A_553 = arith.constant 688128 : i32
    %add3A_554 = arith.addi %mul3A_2, %add3A_553 : i32
    %dma_wait3A_555 = arith.constant 0 : i32
    %dma_wait3A_556 = arith.constant 0 : i32
    %dma_wait3A_557 = tpu.memref_slice %arg6[%dma_wait3A_555, %dma_wait3A_556] : memref<2x57344xf32, #tpu.memory_space<vmem>> -> memref<1x57344xf32, #tpu.memory_space<vmem>>
    %dma_wait3A_558 = tpu.memref_squeeze %dma_wait3A_557 : memref<1x57344xf32, #tpu.memory_space<vmem>> -> memref<57344xf32, #tpu.memory_space<vmem>>
    %dma_wait3A_559 = tpu.memref_slice %arg2[%add3A_554] : memref<38535168xf32, #tpu.memory_space<hbm>> -> memref<57344xf32, #tpu.memory_space<hbm>>
    %dma_wait3A_560 = arith.constant 0 : i32
    %dma_wait3A_561 = tpu.memref_slice %arg6[%dma_wait3A_555, %dma_wait3A_560] : memref<2x57344xf32, #tpu.memory_space<vmem>> -> memref<1x57344xf32, #tpu.memory_space<vmem>>
    %dma_wait3A_562 = tpu.memref_squeeze %dma_wait3A_561 : memref<1x57344xf32, #tpu.memory_space<vmem>> -> memref<57344xf32, #tpu.memory_space<vmem>>
    %dma_wait3A_563 = tpu.memref_slice %arg2[%add3A_554] : memref<38535168xf32, #tpu.memory_space<hbm>> -> memref<57344xf32, #tpu.memory_space<hbm>>
    tpu.wait_dma2 semaphore(%arg8 : memref<!tpu.dma_semaphore, #tpu.memory_space<semaphore_mem>>) src(%dma_wait3A_563 : memref<57344xf32, #tpu.memory_space<hbm>>) dst(%dma_wait3A_562 : memref<57344xf32, #tpu.memory_space<vmem>>)
    %add3A_564 = arith.constant 688128 : i32
    %add3A_565 = arith.addi %mul3A_2, %add3A_564 : i32
    %dma_start3A_566 = arith.constant 0 : i32
    %dma_start3A_567 = arith.constant 0 : i32
    %dma_start3A_568 = tpu.memref_slice %arg6[%dma_start3A_566, %dma_start3A_567] : memref<2x57344xf32, #tpu.memory_space<vmem>> -> memref<1x57344xf32, #tpu.memory_space<vmem>>
    %dma_start3A_569 = tpu.memref_squeeze %dma_start3A_568 : memref<1x57344xf32, #tpu.memory_space<vmem>> -> memref<57344xf32, #tpu.memory_space<vmem>>
    %dma_start3A_570 = tpu.memref_slice %arg4[%add3A_565] : memref<38535168xf32, #tpu.memory_space<hbm>> -> memref<57344xf32, #tpu.memory_space<hbm>>
    %dma_start3A_571 = tpu.memref_slice %arg4[%add3A_565] : memref<38535168xf32, #tpu.memory_space<hbm>> -> memref<57344xf32, #tpu.memory_space<hbm>>
    %dma_start3A_572 = arith.constant 0 : i32
    %dma_start3A_573 = tpu.memref_slice %arg6[%dma_start3A_566, %dma_start3A_572] : memref<2x57344xf32, #tpu.memory_space<vmem>> -> memref<1x57344xf32, #tpu.memory_space<vmem>>
    %dma_start3A_574 = tpu.memref_squeeze %dma_start3A_573 : memref<1x57344xf32, #tpu.memory_space<vmem>> -> memref<57344xf32, #tpu.memory_space<vmem>>
    tpu.enqueue_dma source(%dma_start3A_574 : memref<57344xf32, #tpu.memory_space<vmem>>) target(%dma_start3A_571 : memref<57344xf32, #tpu.memory_space<hbm>>) target_semaphore(%arg10 : memref<!tpu.dma_semaphore, #tpu.memory_space<semaphore_mem>>)
    %add3A_575 = arith.constant 688128 : i32
    %add3A_576 = arith.addi %mul3A_2, %add3A_575 : i32
    %dma_wait3A_577 = arith.constant 0 : i32
    %dma_wait3A_578 = arith.constant 0 : i32
    %dma_wait3A_579 = tpu.memref_slice %arg6[%dma_wait3A_577, %dma_wait3A_578] : memref<2x57344xf32, #tpu.memory_space<vmem>> -> memref<1x57344xf32, #tpu.memory_space<vmem>>
    %dma_wait3A_580 = tpu.memref_squeeze %dma_wait3A_579 : memref<1x57344xf32, #tpu.memory_space<vmem>> -> memref<57344xf32, #tpu.memory_space<vmem>>
    %dma_wait3A_581 = tpu.memref_slice %arg4[%add3A_576] : memref<38535168xf32, #tpu.memory_space<hbm>> -> memref<57344xf32, #tpu.memory_space<hbm>>
    %dma_wait3A_582 = tpu.memref_slice %arg4[%add3A_576] : memref<38535168xf32, #tpu.memory_space<hbm>> -> memref<57344xf32, #tpu.memory_space<hbm>>
    %dma_wait3A_583 = arith.constant 0 : i32
    %dma_wait3A_584 = tpu.memref_slice %arg6[%dma_wait3A_577, %dma_wait3A_583] : memref<2x57344xf32, #tpu.memory_space<vmem>> -> memref<1x57344xf32, #tpu.memory_space<vmem>>
    %dma_wait3A_585 = tpu.memref_squeeze %dma_wait3A_584 : memref<1x57344xf32, #tpu.memory_space<vmem>> -> memref<57344xf32, #tpu.memory_space<vmem>>
    tpu.wait_dma2 semaphore(%arg10 : memref<!tpu.dma_semaphore, #tpu.memory_space<semaphore_mem>>) src(%dma_wait3A_585 : memref<57344xf32, #tpu.memory_space<vmem>>) dst(%dma_wait3A_582 : memref<57344xf32, #tpu.memory_space<hbm>>)
    %add3A_586 = arith.constant 802816 : i32
    %add3A_587 = arith.addi %mul3A_2, %add3A_586 : i32
    %dma_start3A_588 = arith.constant 0 : i32
    %dma_start3A_589 = arith.constant 0 : i32
    %dma_start3A_590 = tpu.memref_slice %arg6[%dma_start3A_588, %dma_start3A_589] : memref<2x57344xf32, #tpu.memory_space<vmem>> -> memref<1x57344xf32, #tpu.memory_space<vmem>>
    %dma_start3A_591 = tpu.memref_squeeze %dma_start3A_590 : memref<1x57344xf32, #tpu.memory_space<vmem>> -> memref<57344xf32, #tpu.memory_space<vmem>>
    %dma_start3A_592 = tpu.memref_slice %arg2[%add3A_587] : memref<38535168xf32, #tpu.memory_space<hbm>> -> memref<57344xf32, #tpu.memory_space<hbm>>
    %dma_start3A_593 = arith.constant 0 : i32
    %dma_start3A_594 = tpu.memref_slice %arg6[%dma_start3A_588, %dma_start3A_593] : memref<2x57344xf32, #tpu.memory_space<vmem>> -> memref<1x57344xf32, #tpu.memory_space<vmem>>
    %dma_start3A_595 = tpu.memref_squeeze %dma_start3A_594 : memref<1x57344xf32, #tpu.memory_space<vmem>> -> memref<57344xf32, #tpu.memory_space<vmem>>
    %dma_start3A_596 = tpu.memref_slice %arg2[%add3A_587] : memref<38535168xf32, #tpu.memory_space<hbm>> -> memref<57344xf32, #tpu.memory_space<hbm>>
    tpu.enqueue_dma source(%dma_start3A_596 : memref<57344xf32, #tpu.memory_space<hbm>>) target(%dma_start3A_595 : memref<57344xf32, #tpu.memory_space<vmem>>) target_semaphore(%arg8 : memref<!tpu.dma_semaphore, #tpu.memory_space<semaphore_mem>>)
    %add3A_597 = arith.constant 745472 : i32
    %add3A_598 = arith.addi %mul3A_2, %add3A_597 : i32
    %dma_wait3A_599 = arith.constant 1 : i32
    %dma_wait3A_600 = arith.constant 0 : i32
    %dma_wait3A_601 = tpu.memref_slice %arg6[%dma_wait3A_599, %dma_wait3A_600] : memref<2x57344xf32, #tpu.memory_space<vmem>> -> memref<1x57344xf32, #tpu.memory_space<vmem>>
    %dma_wait3A_602 = tpu.memref_squeeze %dma_wait3A_601 : memref<1x57344xf32, #tpu.memory_space<vmem>> -> memref<57344xf32, #tpu.memory_space<vmem>>
    %dma_wait3A_603 = tpu.memref_slice %arg2[%add3A_598] : memref<38535168xf32, #tpu.memory_space<hbm>> -> memref<57344xf32, #tpu.memory_space<hbm>>
    %dma_wait3A_604 = arith.constant 0 : i32
    %dma_wait3A_605 = tpu.memref_slice %arg6[%dma_wait3A_599, %dma_wait3A_604] : memref<2x57344xf32, #tpu.memory_space<vmem>> -> memref<1x57344xf32, #tpu.memory_space<vmem>>
    %dma_wait3A_606 = tpu.memref_squeeze %dma_wait3A_605 : memref<1x57344xf32, #tpu.memory_space<vmem>> -> memref<57344xf32, #tpu.memory_space<vmem>>
    %dma_wait3A_607 = tpu.memref_slice %arg2[%add3A_598] : memref<38535168xf32, #tpu.memory_space<hbm>> -> memref<57344xf32, #tpu.memory_space<hbm>>
    tpu.wait_dma2 semaphore(%arg9 : memref<!tpu.dma_semaphore, #tpu.memory_space<semaphore_mem>>) src(%dma_wait3A_607 : memref<57344xf32, #tpu.memory_space<hbm>>) dst(%dma_wait3A_606 : memref<57344xf32, #tpu.memory_space<vmem>>)
    %add3A_608 = arith.constant 745472 : i32
    %add3A_609 = arith.addi %mul3A_2, %add3A_608 : i32
    %dma_start3A_610 = arith.constant 1 : i32
    %dma_start3A_611 = arith.constant 0 : i32
    %dma_start3A_612 = tpu.memref_slice %arg6[%dma_start3A_610, %dma_start3A_611] : memref<2x57344xf32, #tpu.memory_space<vmem>> -> memref<1x57344xf32, #tpu.memory_space<vmem>>
    %dma_start3A_613 = tpu.memref_squeeze %dma_start3A_612 : memref<1x57344xf32, #tpu.memory_space<vmem>> -> memref<57344xf32, #tpu.memory_space<vmem>>
    %dma_start3A_614 = tpu.memref_slice %arg4[%add3A_609] : memref<38535168xf32, #tpu.memory_space<hbm>> -> memref<57344xf32, #tpu.memory_space<hbm>>
    %dma_start3A_615 = tpu.memref_slice %arg4[%add3A_609] : memref<38535168xf32, #tpu.memory_space<hbm>> -> memref<57344xf32, #tpu.memory_space<hbm>>
    %dma_start3A_616 = arith.constant 0 : i32
    %dma_start3A_617 = tpu.memref_slice %arg6[%dma_start3A_610, %dma_start3A_616] : memref<2x57344xf32, #tpu.memory_space<vmem>> -> memref<1x57344xf32, #tpu.memory_space<vmem>>
    %dma_start3A_618 = tpu.memref_squeeze %dma_start3A_617 : memref<1x57344xf32, #tpu.memory_space<vmem>> -> memref<57344xf32, #tpu.memory_space<vmem>>
    tpu.enqueue_dma source(%dma_start3A_618 : memref<57344xf32, #tpu.memory_space<vmem>>) target(%dma_start3A_615 : memref<57344xf32, #tpu.memory_space<hbm>>) target_semaphore(%arg11 : memref<!tpu.dma_semaphore, #tpu.memory_space<semaphore_mem>>)
    %add3A_619 = arith.constant 745472 : i32
    %add3A_620 = arith.addi %mul3A_2, %add3A_619 : i32
    %dma_wait3A_621 = arith.constant 1 : i32
    %dma_wait3A_622 = arith.constant 0 : i32
    %dma_wait3A_623 = tpu.memref_slice %arg6[%dma_wait3A_621, %dma_wait3A_622] : memref<2x57344xf32, #tpu.memory_space<vmem>> -> memref<1x57344xf32, #tpu.memory_space<vmem>>
    %dma_wait3A_624 = tpu.memref_squeeze %dma_wait3A_623 : memref<1x57344xf32, #tpu.memory_space<vmem>> -> memref<57344xf32, #tpu.memory_space<vmem>>
    %dma_wait3A_625 = tpu.memref_slice %arg4[%add3A_620] : memref<38535168xf32, #tpu.memory_space<hbm>> -> memref<57344xf32, #tpu.memory_space<hbm>>
    %dma_wait3A_626 = tpu.memref_slice %arg4[%add3A_620] : memref<38535168xf32, #tpu.memory_space<hbm>> -> memref<57344xf32, #tpu.memory_space<hbm>>
    %dma_wait3A_627 = arith.constant 0 : i32
    %dma_wait3A_628 = tpu.memref_slice %arg6[%dma_wait3A_621, %dma_wait3A_627] : memref<2x57344xf32, #tpu.memory_space<vmem>> -> memref<1x57344xf32, #tpu.memory_space<vmem>>
    %dma_wait3A_629 = tpu.memref_squeeze %dma_wait3A_628 : memref<1x57344xf32, #tpu.memory_space<vmem>> -> memref<57344xf32, #tpu.memory_space<vmem>>
    tpu.wait_dma2 semaphore(%arg11 : memref<!tpu.dma_semaphore, #tpu.memory_space<semaphore_mem>>) src(%dma_wait3A_629 : memref<57344xf32, #tpu.memory_space<vmem>>) dst(%dma_wait3A_626 : memref<57344xf32, #tpu.memory_space<hbm>>)
    %add3A_630 = arith.constant 860160 : i32
    %add3A_631 = arith.addi %mul3A_2, %add3A_630 : i32
    %dma_start3A_632 = arith.constant 1 : i32
    %dma_start3A_633 = arith.constant 0 : i32
    %dma_start3A_634 = tpu.memref_slice %arg6[%dma_start3A_632, %dma_start3A_633] : memref<2x57344xf32, #tpu.memory_space<vmem>> -> memref<1x57344xf32, #tpu.memory_space<vmem>>
    %dma_start3A_635 = tpu.memref_squeeze %dma_start3A_634 : memref<1x57344xf32, #tpu.memory_space<vmem>> -> memref<57344xf32, #tpu.memory_space<vmem>>
    %dma_start3A_636 = tpu.memref_slice %arg2[%add3A_631] : memref<38535168xf32, #tpu.memory_space<hbm>> -> memref<57344xf32, #tpu.memory_space<hbm>>
    %dma_start3A_637 = arith.constant 0 : i32
    %dma_start3A_638 = tpu.memref_slice %arg6[%dma_start3A_632, %dma_start3A_637] : memref<2x57344xf32, #tpu.memory_space<vmem>> -> memref<1x57344xf32, #tpu.memory_space<vmem>>
    %dma_start3A_639 = tpu.memref_squeeze %dma_start3A_638 : memref<1x57344xf32, #tpu.memory_space<vmem>> -> memref<57344xf32, #tpu.memory_space<vmem>>
    %dma_start3A_640 = tpu.memref_slice %arg2[%add3A_631] : memref<38535168xf32, #tpu.memory_space<hbm>> -> memref<57344xf32, #tpu.memory_space<hbm>>
    tpu.enqueue_dma source(%dma_start3A_640 : memref<57344xf32, #tpu.memory_space<hbm>>) target(%dma_start3A_639 : memref<57344xf32, #tpu.memory_space<vmem>>) target_semaphore(%arg9 : memref<!tpu.dma_semaphore, #tpu.memory_space<semaphore_mem>>)
    %add3A_641 = arith.constant 802816 : i32
    %add3A_642 = arith.addi %mul3A_2, %add3A_641 : i32
    %dma_wait3A_643 = arith.constant 0 : i32
    %dma_wait3A_644 = arith.constant 0 : i32
    %dma_wait3A_645 = tpu.memref_slice %arg6[%dma_wait3A_643, %dma_wait3A_644] : memref<2x57344xf32, #tpu.memory_space<vmem>> -> memref<1x57344xf32, #tpu.memory_space<vmem>>
    %dma_wait3A_646 = tpu.memref_squeeze %dma_wait3A_645 : memref<1x57344xf32, #tpu.memory_space<vmem>> -> memref<57344xf32, #tpu.memory_space<vmem>>
    %dma_wait3A_647 = tpu.memref_slice %arg2[%add3A_642] : memref<38535168xf32, #tpu.memory_space<hbm>> -> memref<57344xf32, #tpu.memory_space<hbm>>
    %dma_wait3A_648 = arith.constant 0 : i32
    %dma_wait3A_649 = tpu.memref_slice %arg6[%dma_wait3A_643, %dma_wait3A_648] : memref<2x57344xf32, #tpu.memory_space<vmem>> -> memref<1x57344xf32, #tpu.memory_space<vmem>>
    %dma_wait3A_650 = tpu.memref_squeeze %dma_wait3A_649 : memref<1x57344xf32, #tpu.memory_space<vmem>> -> memref<57344xf32, #tpu.memory_space<vmem>>
    %dma_wait3A_651 = tpu.memref_slice %arg2[%add3A_642] : memref<38535168xf32, #tpu.memory_space<hbm>> -> memref<57344xf32, #tpu.memory_space<hbm>>
    tpu.wait_dma2 semaphore(%arg8 : memref<!tpu.dma_semaphore, #tpu.memory_space<semaphore_mem>>) src(%dma_wait3A_651 : memref<57344xf32, #tpu.memory_space<hbm>>) dst(%dma_wait3A_650 : memref<57344xf32, #tpu.memory_space<vmem>>)
    %add3A_652 = arith.constant 802816 : i32
    %add3A_653 = arith.addi %mul3A_2, %add3A_652 : i32
    %dma_start3A_654 = arith.constant 0 : i32
    %dma_start3A_655 = arith.constant 0 : i32
    %dma_start3A_656 = tpu.memref_slice %arg6[%dma_start3A_654, %dma_start3A_655] : memref<2x57344xf32, #tpu.memory_space<vmem>> -> memref<1x57344xf32, #tpu.memory_space<vmem>>
    %dma_start3A_657 = tpu.memref_squeeze %dma_start3A_656 : memref<1x57344xf32, #tpu.memory_space<vmem>> -> memref<57344xf32, #tpu.memory_space<vmem>>
    %dma_start3A_658 = tpu.memref_slice %arg4[%add3A_653] : memref<38535168xf32, #tpu.memory_space<hbm>> -> memref<57344xf32, #tpu.memory_space<hbm>>
    %dma_start3A_659 = tpu.memref_slice %arg4[%add3A_653] : memref<38535168xf32, #tpu.memory_space<hbm>> -> memref<57344xf32, #tpu.memory_space<hbm>>
    %dma_start3A_660 = arith.constant 0 : i32
    %dma_start3A_661 = tpu.memref_slice %arg6[%dma_start3A_654, %dma_start3A_660] : memref<2x57344xf32, #tpu.memory_space<vmem>> -> memref<1x57344xf32, #tpu.memory_space<vmem>>
    %dma_start3A_662 = tpu.memref_squeeze %dma_start3A_661 : memref<1x57344xf32, #tpu.memory_space<vmem>> -> memref<57344xf32, #tpu.memory_space<vmem>>
    tpu.enqueue_dma source(%dma_start3A_662 : memref<57344xf32, #tpu.memory_space<vmem>>) target(%dma_start3A_659 : memref<57344xf32, #tpu.memory_space<hbm>>) target_semaphore(%arg10 : memref<!tpu.dma_semaphore, #tpu.memory_space<semaphore_mem>>)
    %add3A_663 = arith.constant 802816 : i32
    %add3A_664 = arith.addi %mul3A_2, %add3A_663 : i32
    %dma_wait3A_665 = arith.constant 0 : i32
    %dma_wait3A_666 = arith.constant 0 : i32
    %dma_wait3A_667 = tpu.memref_slice %arg6[%dma_wait3A_665, %dma_wait3A_666] : memref<2x57344xf32, #tpu.memory_space<vmem>> -> memref<1x57344xf32, #tpu.memory_space<vmem>>
    %dma_wait3A_668 = tpu.memref_squeeze %dma_wait3A_667 : memref<1x57344xf32, #tpu.memory_space<vmem>> -> memref<57344xf32, #tpu.memory_space<vmem>>
    %dma_wait3A_669 = tpu.memref_slice %arg4[%add3A_664] : memref<38535168xf32, #tpu.memory_space<hbm>> -> memref<57344xf32, #tpu.memory_space<hbm>>
    %dma_wait3A_670 = tpu.memref_slice %arg4[%add3A_664] : memref<38535168xf32, #tpu.memory_space<hbm>> -> memref<57344xf32, #tpu.memory_space<hbm>>
    %dma_wait3A_671 = arith.constant 0 : i32
    %dma_wait3A_672 = tpu.memref_slice %arg6[%dma_wait3A_665, %dma_wait3A_671] : memref<2x57344xf32, #tpu.memory_space<vmem>> -> memref<1x57344xf32, #tpu.memory_space<vmem>>
    %dma_wait3A_673 = tpu.memref_squeeze %dma_wait3A_672 : memref<1x57344xf32, #tpu.memory_space<vmem>> -> memref<57344xf32, #tpu.memory_space<vmem>>
    tpu.wait_dma2 semaphore(%arg10 : memref<!tpu.dma_semaphore, #tpu.memory_space<semaphore_mem>>) src(%dma_wait3A_673 : memref<57344xf32, #tpu.memory_space<vmem>>) dst(%dma_wait3A_670 : memref<57344xf32, #tpu.memory_space<hbm>>)
    %add3A_674 = arith.constant 917504 : i32
    %add3A_675 = arith.addi %mul3A_2, %add3A_674 : i32
    %dma_start3A_676 = arith.constant 0 : i32
    %dma_start3A_677 = arith.constant 0 : i32
    %dma_start3A_678 = tpu.memref_slice %arg6[%dma_start3A_676, %dma_start3A_677] : memref<2x57344xf32, #tpu.memory_space<vmem>> -> memref<1x57344xf32, #tpu.memory_space<vmem>>
    %dma_start3A_679 = tpu.memref_squeeze %dma_start3A_678 : memref<1x57344xf32, #tpu.memory_space<vmem>> -> memref<57344xf32, #tpu.memory_space<vmem>>
    %dma_start3A_680 = tpu.memref_slice %arg2[%add3A_675] : memref<38535168xf32, #tpu.memory_space<hbm>> -> memref<57344xf32, #tpu.memory_space<hbm>>
    %dma_start3A_681 = arith.constant 0 : i32
    %dma_start3A_682 = tpu.memref_slice %arg6[%dma_start3A_676, %dma_start3A_681] : memref<2x57344xf32, #tpu.memory_space<vmem>> -> memref<1x57344xf32, #tpu.memory_space<vmem>>
    %dma_start3A_683 = tpu.memref_squeeze %dma_start3A_682 : memref<1x57344xf32, #tpu.memory_space<vmem>> -> memref<57344xf32, #tpu.memory_space<vmem>>
    %dma_start3A_684 = tpu.memref_slice %arg2[%add3A_675] : memref<38535168xf32, #tpu.memory_space<hbm>> -> memref<57344xf32, #tpu.memory_space<hbm>>
    tpu.enqueue_dma source(%dma_start3A_684 : memref<57344xf32, #tpu.memory_space<hbm>>) target(%dma_start3A_683 : memref<57344xf32, #tpu.memory_space<vmem>>) target_semaphore(%arg8 : memref<!tpu.dma_semaphore, #tpu.memory_space<semaphore_mem>>)
    %add3A_685 = arith.constant 860160 : i32
    %add3A_686 = arith.addi %mul3A_2, %add3A_685 : i32
    %dma_wait3A_687 = arith.constant 1 : i32
    %dma_wait3A_688 = arith.constant 0 : i32
    %dma_wait3A_689 = tpu.memref_slice %arg6[%dma_wait3A_687, %dma_wait3A_688] : memref<2x57344xf32, #tpu.memory_space<vmem>> -> memref<1x57344xf32, #tpu.memory_space<vmem>>
    %dma_wait3A_690 = tpu.memref_squeeze %dma_wait3A_689 : memref<1x57344xf32, #tpu.memory_space<vmem>> -> memref<57344xf32, #tpu.memory_space<vmem>>
    %dma_wait3A_691 = tpu.memref_slice %arg2[%add3A_686] : memref<38535168xf32, #tpu.memory_space<hbm>> -> memref<57344xf32, #tpu.memory_space<hbm>>
    %dma_wait3A_692 = arith.constant 0 : i32
    %dma_wait3A_693 = tpu.memref_slice %arg6[%dma_wait3A_687, %dma_wait3A_692] : memref<2x57344xf32, #tpu.memory_space<vmem>> -> memref<1x57344xf32, #tpu.memory_space<vmem>>
    %dma_wait3A_694 = tpu.memref_squeeze %dma_wait3A_693 : memref<1x57344xf32, #tpu.memory_space<vmem>> -> memref<57344xf32, #tpu.memory_space<vmem>>
    %dma_wait3A_695 = tpu.memref_slice %arg2[%add3A_686] : memref<38535168xf32, #tpu.memory_space<hbm>> -> memref<57344xf32, #tpu.memory_space<hbm>>
    tpu.wait_dma2 semaphore(%arg9 : memref<!tpu.dma_semaphore, #tpu.memory_space<semaphore_mem>>) src(%dma_wait3A_695 : memref<57344xf32, #tpu.memory_space<hbm>>) dst(%dma_wait3A_694 : memref<57344xf32, #tpu.memory_space<vmem>>)
    %add3A_696 = arith.constant 860160 : i32
    %add3A_697 = arith.addi %mul3A_2, %add3A_696 : i32
    %dma_start3A_698 = arith.constant 1 : i32
    %dma_start3A_699 = arith.constant 0 : i32
    %dma_start3A_700 = tpu.memref_slice %arg6[%dma_start3A_698, %dma_start3A_699] : memref<2x57344xf32, #tpu.memory_space<vmem>> -> memref<1x57344xf32, #tpu.memory_space<vmem>>
    %dma_start3A_701 = tpu.memref_squeeze %dma_start3A_700 : memref<1x57344xf32, #tpu.memory_space<vmem>> -> memref<57344xf32, #tpu.memory_space<vmem>>
    %dma_start3A_702 = tpu.memref_slice %arg4[%add3A_697] : memref<38535168xf32, #tpu.memory_space<hbm>> -> memref<57344xf32, #tpu.memory_space<hbm>>
    %dma_start3A_703 = tpu.memref_slice %arg4[%add3A_697] : memref<38535168xf32, #tpu.memory_space<hbm>> -> memref<57344xf32, #tpu.memory_space<hbm>>
    %dma_start3A_704 = arith.constant 0 : i32
    %dma_start3A_705 = tpu.memref_slice %arg6[%dma_start3A_698, %dma_start3A_704] : memref<2x57344xf32, #tpu.memory_space<vmem>> -> memref<1x57344xf32, #tpu.memory_space<vmem>>
    %dma_start3A_706 = tpu.memref_squeeze %dma_start3A_705 : memref<1x57344xf32, #tpu.memory_space<vmem>> -> memref<57344xf32, #tpu.memory_space<vmem>>
    tpu.enqueue_dma source(%dma_start3A_706 : memref<57344xf32, #tpu.memory_space<vmem>>) target(%dma_start3A_703 : memref<57344xf32, #tpu.memory_space<hbm>>) target_semaphore(%arg11 : memref<!tpu.dma_semaphore, #tpu.memory_space<semaphore_mem>>)
    %add3A_707 = arith.constant 860160 : i32
    %add3A_708 = arith.addi %mul3A_2, %add3A_707 : i32
    %dma_wait3A_709 = arith.constant 1 : i32
    %dma_wait3A_710 = arith.constant 0 : i32
    %dma_wait3A_711 = tpu.memref_slice %arg6[%dma_wait3A_709, %dma_wait3A_710] : memref<2x57344xf32, #tpu.memory_space<vmem>> -> memref<1x57344xf32, #tpu.memory_space<vmem>>
    %dma_wait3A_712 = tpu.memref_squeeze %dma_wait3A_711 : memref<1x57344xf32, #tpu.memory_space<vmem>> -> memref<57344xf32, #tpu.memory_space<vmem>>
    %dma_wait3A_713 = tpu.memref_slice %arg4[%add3A_708] : memref<38535168xf32, #tpu.memory_space<hbm>> -> memref<57344xf32, #tpu.memory_space<hbm>>
    %dma_wait3A_714 = tpu.memref_slice %arg4[%add3A_708] : memref<38535168xf32, #tpu.memory_space<hbm>> -> memref<57344xf32, #tpu.memory_space<hbm>>
    %dma_wait3A_715 = arith.constant 0 : i32
    %dma_wait3A_716 = tpu.memref_slice %arg6[%dma_wait3A_709, %dma_wait3A_715] : memref<2x57344xf32, #tpu.memory_space<vmem>> -> memref<1x57344xf32, #tpu.memory_space<vmem>>
    %dma_wait3A_717 = tpu.memref_squeeze %dma_wait3A_716 : memref<1x57344xf32, #tpu.memory_space<vmem>> -> memref<57344xf32, #tpu.memory_space<vmem>>
    tpu.wait_dma2 semaphore(%arg11 : memref<!tpu.dma_semaphore, #tpu.memory_space<semaphore_mem>>) src(%dma_wait3A_717 : memref<57344xf32, #tpu.memory_space<vmem>>) dst(%dma_wait3A_714 : memref<57344xf32, #tpu.memory_space<hbm>>)
    %add3A_718 = arith.constant 974848 : i32
    %add3A_719 = arith.addi %mul3A_2, %add3A_718 : i32
    %dma_start3A_720 = arith.constant 1 : i32
    %dma_start3A_721 = arith.constant 0 : i32
    %dma_start3A_722 = tpu.memref_slice %arg6[%dma_start3A_720, %dma_start3A_721] : memref<2x57344xf32, #tpu.memory_space<vmem>> -> memref<1x57344xf32, #tpu.memory_space<vmem>>
    %dma_start3A_723 = tpu.memref_squeeze %dma_start3A_722 : memref<1x57344xf32, #tpu.memory_space<vmem>> -> memref<57344xf32, #tpu.memory_space<vmem>>
    %dma_start3A_724 = tpu.memref_slice %arg2[%add3A_719] : memref<38535168xf32, #tpu.memory_space<hbm>> -> memref<57344xf32, #tpu.memory_space<hbm>>
    %dma_start3A_725 = arith.constant 0 : i32
    %dma_start3A_726 = tpu.memref_slice %arg6[%dma_start3A_720, %dma_start3A_725] : memref<2x57344xf32, #tpu.memory_space<vmem>> -> memref<1x57344xf32, #tpu.memory_space<vmem>>
    %dma_start3A_727 = tpu.memref_squeeze %dma_start3A_726 : memref<1x57344xf32, #tpu.memory_space<vmem>> -> memref<57344xf32, #tpu.memory_space<vmem>>
    %dma_start3A_728 = tpu.memref_slice %arg2[%add3A_719] : memref<38535168xf32, #tpu.memory_space<hbm>> -> memref<57344xf32, #tpu.memory_space<hbm>>
    tpu.enqueue_dma source(%dma_start3A_728 : memref<57344xf32, #tpu.memory_space<hbm>>) target(%dma_start3A_727 : memref<57344xf32, #tpu.memory_space<vmem>>) target_semaphore(%arg9 : memref<!tpu.dma_semaphore, #tpu.memory_space<semaphore_mem>>)
    %add3A_729 = arith.constant 917504 : i32
    %add3A_730 = arith.addi %mul3A_2, %add3A_729 : i32
    %dma_wait3A_731 = arith.constant 0 : i32
    %dma_wait3A_732 = arith.constant 0 : i32
    %dma_wait3A_733 = tpu.memref_slice %arg6[%dma_wait3A_731, %dma_wait3A_732] : memref<2x57344xf32, #tpu.memory_space<vmem>> -> memref<1x57344xf32, #tpu.memory_space<vmem>>
    %dma_wait3A_734 = tpu.memref_squeeze %dma_wait3A_733 : memref<1x57344xf32, #tpu.memory_space<vmem>> -> memref<57344xf32, #tpu.memory_space<vmem>>
    %dma_wait3A_735 = tpu.memref_slice %arg2[%add3A_730] : memref<38535168xf32, #tpu.memory_space<hbm>> -> memref<57344xf32, #tpu.memory_space<hbm>>
    %dma_wait3A_736 = arith.constant 0 : i32
    %dma_wait3A_737 = tpu.memref_slice %arg6[%dma_wait3A_731, %dma_wait3A_736] : memref<2x57344xf32, #tpu.memory_space<vmem>> -> memref<1x57344xf32, #tpu.memory_space<vmem>>
    %dma_wait3A_738 = tpu.memref_squeeze %dma_wait3A_737 : memref<1x57344xf32, #tpu.memory_space<vmem>> -> memref<57344xf32, #tpu.memory_space<vmem>>
    %dma_wait3A_739 = tpu.memref_slice %arg2[%add3A_730] : memref<38535168xf32, #tpu.memory_space<hbm>> -> memref<57344xf32, #tpu.memory_space<hbm>>
    tpu.wait_dma2 semaphore(%arg8 : memref<!tpu.dma_semaphore, #tpu.memory_space<semaphore_mem>>) src(%dma_wait3A_739 : memref<57344xf32, #tpu.memory_space<hbm>>) dst(%dma_wait3A_738 : memref<57344xf32, #tpu.memory_space<vmem>>)
    %add3A_740 = arith.constant 917504 : i32
    %add3A_741 = arith.addi %mul3A_2, %add3A_740 : i32
    %dma_start3A_742 = arith.constant 0 : i32
    %dma_start3A_743 = arith.constant 0 : i32
    %dma_start3A_744 = tpu.memref_slice %arg6[%dma_start3A_742, %dma_start3A_743] : memref<2x57344xf32, #tpu.memory_space<vmem>> -> memref<1x57344xf32, #tpu.memory_space<vmem>>
    %dma_start3A_745 = tpu.memref_squeeze %dma_start3A_744 : memref<1x57344xf32, #tpu.memory_space<vmem>> -> memref<57344xf32, #tpu.memory_space<vmem>>
    %dma_start3A_746 = tpu.memref_slice %arg4[%add3A_741] : memref<38535168xf32, #tpu.memory_space<hbm>> -> memref<57344xf32, #tpu.memory_space<hbm>>
    %dma_start3A_747 = tpu.memref_slice %arg4[%add3A_741] : memref<38535168xf32, #tpu.memory_space<hbm>> -> memref<57344xf32, #tpu.memory_space<hbm>>
    %dma_start3A_748 = arith.constant 0 : i32
    %dma_start3A_749 = tpu.memref_slice %arg6[%dma_start3A_742, %dma_start3A_748] : memref<2x57344xf32, #tpu.memory_space<vmem>> -> memref<1x57344xf32, #tpu.memory_space<vmem>>
    %dma_start3A_750 = tpu.memref_squeeze %dma_start3A_749 : memref<1x57344xf32, #tpu.memory_space<vmem>> -> memref<57344xf32, #tpu.memory_space<vmem>>
    tpu.enqueue_dma source(%dma_start3A_750 : memref<57344xf32, #tpu.memory_space<vmem>>) target(%dma_start3A_747 : memref<57344xf32, #tpu.memory_space<hbm>>) target_semaphore(%arg10 : memref<!tpu.dma_semaphore, #tpu.memory_space<semaphore_mem>>)
    %add3A_751 = arith.constant 917504 : i32
    %add3A_752 = arith.addi %mul3A_2, %add3A_751 : i32
    %dma_wait3A_753 = arith.constant 0 : i32
    %dma_wait3A_754 = arith.constant 0 : i32
    %dma_wait3A_755 = tpu.memref_slice %arg6[%dma_wait3A_753, %dma_wait3A_754] : memref<2x57344xf32, #tpu.memory_space<vmem>> -> memref<1x57344xf32, #tpu.memory_space<vmem>>
    %dma_wait3A_756 = tpu.memref_squeeze %dma_wait3A_755 : memref<1x57344xf32, #tpu.memory_space<vmem>> -> memref<57344xf32, #tpu.memory_space<vmem>>
    %dma_wait3A_757 = tpu.memref_slice %arg4[%add3A_752] : memref<38535168xf32, #tpu.memory_space<hbm>> -> memref<57344xf32, #tpu.memory_space<hbm>>
    %dma_wait3A_758 = tpu.memref_slice %arg4[%add3A_752] : memref<38535168xf32, #tpu.memory_space<hbm>> -> memref<57344xf32, #tpu.memory_space<hbm>>
    %dma_wait3A_759 = arith.constant 0 : i32
    %dma_wait3A_760 = tpu.memref_slice %arg6[%dma_wait3A_753, %dma_wait3A_759] : memref<2x57344xf32, #tpu.memory_space<vmem>> -> memref<1x57344xf32, #tpu.memory_space<vmem>>
    %dma_wait3A_761 = tpu.memref_squeeze %dma_wait3A_760 : memref<1x57344xf32, #tpu.memory_space<vmem>> -> memref<57344xf32, #tpu.memory_space<vmem>>
    tpu.wait_dma2 semaphore(%arg10 : memref<!tpu.dma_semaphore, #tpu.memory_space<semaphore_mem>>) src(%dma_wait3A_761 : memref<57344xf32, #tpu.memory_space<vmem>>) dst(%dma_wait3A_758 : memref<57344xf32, #tpu.memory_space<hbm>>)
    %add3A_762 = arith.constant 1032192 : i32
    %add3A_763 = arith.addi %mul3A_2, %add3A_762 : i32
    %dma_start3A_764 = arith.constant 0 : i32
    %dma_start3A_765 = arith.constant 0 : i32
    %dma_start3A_766 = tpu.memref_slice %arg6[%dma_start3A_764, %dma_start3A_765] : memref<2x57344xf32, #tpu.memory_space<vmem>> -> memref<1x57344xf32, #tpu.memory_space<vmem>>
    %dma_start3A_767 = tpu.memref_squeeze %dma_start3A_766 : memref<1x57344xf32, #tpu.memory_space<vmem>> -> memref<57344xf32, #tpu.memory_space<vmem>>
    %dma_start3A_768 = tpu.memref_slice %arg2[%add3A_763] : memref<38535168xf32, #tpu.memory_space<hbm>> -> memref<57344xf32, #tpu.memory_space<hbm>>
    %dma_start3A_769 = arith.constant 0 : i32
    %dma_start3A_770 = tpu.memref_slice %arg6[%dma_start3A_764, %dma_start3A_769] : memref<2x57344xf32, #tpu.memory_space<vmem>> -> memref<1x57344xf32, #tpu.memory_space<vmem>>
    %dma_start3A_771 = tpu.memref_squeeze %dma_start3A_770 : memref<1x57344xf32, #tpu.memory_space<vmem>> -> memref<57344xf32, #tpu.memory_space<vmem>>
    %dma_start3A_772 = tpu.memref_slice %arg2[%add3A_763] : memref<38535168xf32, #tpu.memory_space<hbm>> -> memref<57344xf32, #tpu.memory_space<hbm>>
    tpu.enqueue_dma source(%dma_start3A_772 : memref<57344xf32, #tpu.memory_space<hbm>>) target(%dma_start3A_771 : memref<57344xf32, #tpu.memory_space<vmem>>) target_semaphore(%arg8 : memref<!tpu.dma_semaphore, #tpu.memory_space<semaphore_mem>>)
    %add3A_773 = arith.constant 974848 : i32
    %add3A_774 = arith.addi %mul3A_2, %add3A_773 : i32
    %dma_wait3A_775 = arith.constant 1 : i32
    %dma_wait3A_776 = arith.constant 0 : i32
    %dma_wait3A_777 = tpu.memref_slice %arg6[%dma_wait3A_775, %dma_wait3A_776] : memref<2x57344xf32, #tpu.memory_space<vmem>> -> memref<1x57344xf32, #tpu.memory_space<vmem>>
    %dma_wait3A_778 = tpu.memref_squeeze %dma_wait3A_777 : memref<1x57344xf32, #tpu.memory_space<vmem>> -> memref<57344xf32, #tpu.memory_space<vmem>>
    %dma_wait3A_779 = tpu.memref_slice %arg2[%add3A_774] : memref<38535168xf32, #tpu.memory_space<hbm>> -> memref<57344xf32, #tpu.memory_space<hbm>>
    %dma_wait3A_780 = arith.constant 0 : i32
    %dma_wait3A_781 = tpu.memref_slice %arg6[%dma_wait3A_775, %dma_wait3A_780] : memref<2x57344xf32, #tpu.memory_space<vmem>> -> memref<1x57344xf32, #tpu.memory_space<vmem>>
    %dma_wait3A_782 = tpu.memref_squeeze %dma_wait3A_781 : memref<1x57344xf32, #tpu.memory_space<vmem>> -> memref<57344xf32, #tpu.memory_space<vmem>>
    %dma_wait3A_783 = tpu.memref_slice %arg2[%add3A_774] : memref<38535168xf32, #tpu.memory_space<hbm>> -> memref<57344xf32, #tpu.memory_space<hbm>>
    tpu.wait_dma2 semaphore(%arg9 : memref<!tpu.dma_semaphore, #tpu.memory_space<semaphore_mem>>) src(%dma_wait3A_783 : memref<57344xf32, #tpu.memory_space<hbm>>) dst(%dma_wait3A_782 : memref<57344xf32, #tpu.memory_space<vmem>>)
    %add3A_784 = arith.constant 974848 : i32
    %add3A_785 = arith.addi %mul3A_2, %add3A_784 : i32
    %dma_start3A_786 = arith.constant 1 : i32
    %dma_start3A_787 = arith.constant 0 : i32
    %dma_start3A_788 = tpu.memref_slice %arg6[%dma_start3A_786, %dma_start3A_787] : memref<2x57344xf32, #tpu.memory_space<vmem>> -> memref<1x57344xf32, #tpu.memory_space<vmem>>
    %dma_start3A_789 = tpu.memref_squeeze %dma_start3A_788 : memref<1x57344xf32, #tpu.memory_space<vmem>> -> memref<57344xf32, #tpu.memory_space<vmem>>
    %dma_start3A_790 = tpu.memref_slice %arg4[%add3A_785] : memref<38535168xf32, #tpu.memory_space<hbm>> -> memref<57344xf32, #tpu.memory_space<hbm>>
    %dma_start3A_791 = tpu.memref_slice %arg4[%add3A_785] : memref<38535168xf32, #tpu.memory_space<hbm>> -> memref<57344xf32, #tpu.memory_space<hbm>>
    %dma_start3A_792 = arith.constant 0 : i32
    %dma_start3A_793 = tpu.memref_slice %arg6[%dma_start3A_786, %dma_start3A_792] : memref<2x57344xf32, #tpu.memory_space<vmem>> -> memref<1x57344xf32, #tpu.memory_space<vmem>>
    %dma_start3A_794 = tpu.memref_squeeze %dma_start3A_793 : memref<1x57344xf32, #tpu.memory_space<vmem>> -> memref<57344xf32, #tpu.memory_space<vmem>>
    tpu.enqueue_dma source(%dma_start3A_794 : memref<57344xf32, #tpu.memory_space<vmem>>) target(%dma_start3A_791 : memref<57344xf32, #tpu.memory_space<hbm>>) target_semaphore(%arg11 : memref<!tpu.dma_semaphore, #tpu.memory_space<semaphore_mem>>)
    %add3A_795 = arith.constant 974848 : i32
    %add3A_796 = arith.addi %mul3A_2, %add3A_795 : i32
    %dma_wait3A_797 = arith.constant 1 : i32
    %dma_wait3A_798 = arith.constant 0 : i32
    %dma_wait3A_799 = tpu.memref_slice %arg6[%dma_wait3A_797, %dma_wait3A_798] : memref<2x57344xf32, #tpu.memory_space<vmem>> -> memref<1x57344xf32, #tpu.memory_space<vmem>>
    %dma_wait3A_800 = tpu.memref_squeeze %dma_wait3A_799 : memref<1x57344xf32, #tpu.memory_space<vmem>> -> memref<57344xf32, #tpu.memory_space<vmem>>
    %dma_wait3A_801 = tpu.memref_slice %arg4[%add3A_796] : memref<38535168xf32, #tpu.memory_space<hbm>> -> memref<57344xf32, #tpu.memory_space<hbm>>
    %dma_wait3A_802 = tpu.memref_slice %arg4[%add3A_796] : memref<38535168xf32, #tpu.memory_space<hbm>> -> memref<57344xf32, #tpu.memory_space<hbm>>
    %dma_wait3A_803 = arith.constant 0 : i32
    %dma_wait3A_804 = tpu.memref_slice %arg6[%dma_wait3A_797, %dma_wait3A_803] : memref<2x57344xf32, #tpu.memory_space<vmem>> -> memref<1x57344xf32, #tpu.memory_space<vmem>>
    %dma_wait3A_805 = tpu.memref_squeeze %dma_wait3A_804 : memref<1x57344xf32, #tpu.memory_space<vmem>> -> memref<57344xf32, #tpu.memory_space<vmem>>
    tpu.wait_dma2 semaphore(%arg11 : memref<!tpu.dma_semaphore, #tpu.memory_space<semaphore_mem>>) src(%dma_wait3A_805 : memref<57344xf32, #tpu.memory_space<vmem>>) dst(%dma_wait3A_802 : memref<57344xf32, #tpu.memory_space<hbm>>)
    %add3A_806 = arith.constant 1089536 : i32
    %add3A_807 = arith.addi %mul3A_2, %add3A_806 : i32
    %dma_start3A_808 = arith.constant 1 : i32
    %dma_start3A_809 = arith.constant 0 : i32
    %dma_start3A_810 = tpu.memref_slice %arg6[%dma_start3A_808, %dma_start3A_809] : memref<2x57344xf32, #tpu.memory_space<vmem>> -> memref<1x57344xf32, #tpu.memory_space<vmem>>
    %dma_start3A_811 = tpu.memref_squeeze %dma_start3A_810 : memref<1x57344xf32, #tpu.memory_space<vmem>> -> memref<57344xf32, #tpu.memory_space<vmem>>
    %dma_start3A_812 = tpu.memref_slice %arg2[%add3A_807] : memref<38535168xf32, #tpu.memory_space<hbm>> -> memref<57344xf32, #tpu.memory_space<hbm>>
    %dma_start3A_813 = arith.constant 0 : i32
    %dma_start3A_814 = tpu.memref_slice %arg6[%dma_start3A_808, %dma_start3A_813] : memref<2x57344xf32, #tpu.memory_space<vmem>> -> memref<1x57344xf32, #tpu.memory_space<vmem>>
    %dma_start3A_815 = tpu.memref_squeeze %dma_start3A_814 : memref<1x57344xf32, #tpu.memory_space<vmem>> -> memref<57344xf32, #tpu.memory_space<vmem>>
    %dma_start3A_816 = tpu.memref_slice %arg2[%add3A_807] : memref<38535168xf32, #tpu.memory_space<hbm>> -> memref<57344xf32, #tpu.memory_space<hbm>>
    tpu.enqueue_dma source(%dma_start3A_816 : memref<57344xf32, #tpu.memory_space<hbm>>) target(%dma_start3A_815 : memref<57344xf32, #tpu.memory_space<vmem>>) target_semaphore(%arg9 : memref<!tpu.dma_semaphore, #tpu.memory_space<semaphore_mem>>)
    %add3A_817 = arith.constant 1032192 : i32
    %add3A_818 = arith.addi %mul3A_2, %add3A_817 : i32
    %dma_wait3A_819 = arith.constant 0 : i32
    %dma_wait3A_820 = arith.constant 0 : i32
    %dma_wait3A_821 = tpu.memref_slice %arg6[%dma_wait3A_819, %dma_wait3A_820] : memref<2x57344xf32, #tpu.memory_space<vmem>> -> memref<1x57344xf32, #tpu.memory_space<vmem>>
    %dma_wait3A_822 = tpu.memref_squeeze %dma_wait3A_821 : memref<1x57344xf32, #tpu.memory_space<vmem>> -> memref<57344xf32, #tpu.memory_space<vmem>>
    %dma_wait3A_823 = tpu.memref_slice %arg2[%add3A_818] : memref<38535168xf32, #tpu.memory_space<hbm>> -> memref<57344xf32, #tpu.memory_space<hbm>>
    %dma_wait3A_824 = arith.constant 0 : i32
    %dma_wait3A_825 = tpu.memref_slice %arg6[%dma_wait3A_819, %dma_wait3A_824] : memref<2x57344xf32, #tpu.memory_space<vmem>> -> memref<1x57344xf32, #tpu.memory_space<vmem>>
    %dma_wait3A_826 = tpu.memref_squeeze %dma_wait3A_825 : memref<1x57344xf32, #tpu.memory_space<vmem>> -> memref<57344xf32, #tpu.memory_space<vmem>>
    %dma_wait3A_827 = tpu.memref_slice %arg2[%add3A_818] : memref<38535168xf32, #tpu.memory_space<hbm>> -> memref<57344xf32, #tpu.memory_space<hbm>>
    tpu.wait_dma2 semaphore(%arg8 : memref<!tpu.dma_semaphore, #tpu.memory_space<semaphore_mem>>) src(%dma_wait3A_827 : memref<57344xf32, #tpu.memory_space<hbm>>) dst(%dma_wait3A_826 : memref<57344xf32, #tpu.memory_space<vmem>>)
    %add3A_828 = arith.constant 1032192 : i32
    %add3A_829 = arith.addi %mul3A_2, %add3A_828 : i32
    %dma_start3A_830 = arith.constant 0 : i32
    %dma_start3A_831 = arith.constant 0 : i32
    %dma_start3A_832 = tpu.memref_slice %arg6[%dma_start3A_830, %dma_start3A_831] : memref<2x57344xf32, #tpu.memory_space<vmem>> -> memref<1x57344xf32, #tpu.memory_space<vmem>>
    %dma_start3A_833 = tpu.memref_squeeze %dma_start3A_832 : memref<1x57344xf32, #tpu.memory_space<vmem>> -> memref<57344xf32, #tpu.memory_space<vmem>>
    %dma_start3A_834 = tpu.memref_slice %arg4[%add3A_829] : memref<38535168xf32, #tpu.memory_space<hbm>> -> memref<57344xf32, #tpu.memory_space<hbm>>
    %dma_start3A_835 = tpu.memref_slice %arg4[%add3A_829] : memref<38535168xf32, #tpu.memory_space<hbm>> -> memref<57344xf32, #tpu.memory_space<hbm>>
    %dma_start3A_836 = arith.constant 0 : i32
    %dma_start3A_837 = tpu.memref_slice %arg6[%dma_start3A_830, %dma_start3A_836] : memref<2x57344xf32, #tpu.memory_space<vmem>> -> memref<1x57344xf32, #tpu.memory_space<vmem>>
    %dma_start3A_838 = tpu.memref_squeeze %dma_start3A_837 : memref<1x57344xf32, #tpu.memory_space<vmem>> -> memref<57344xf32, #tpu.memory_space<vmem>>
    tpu.enqueue_dma source(%dma_start3A_838 : memref<57344xf32, #tpu.memory_space<vmem>>) target(%dma_start3A_835 : memref<57344xf32, #tpu.memory_space<hbm>>) target_semaphore(%arg10 : memref<!tpu.dma_semaphore, #tpu.memory_space<semaphore_mem>>)
    %add3A_839 = arith.constant 1032192 : i32
    %add3A_840 = arith.addi %mul3A_2, %add3A_839 : i32
    %dma_wait3A_841 = arith.constant 0 : i32
    %dma_wait3A_842 = arith.constant 0 : i32
    %dma_wait3A_843 = tpu.memref_slice %arg6[%dma_wait3A_841, %dma_wait3A_842] : memref<2x57344xf32, #tpu.memory_space<vmem>> -> memref<1x57344xf32, #tpu.memory_space<vmem>>
    %dma_wait3A_844 = tpu.memref_squeeze %dma_wait3A_843 : memref<1x57344xf32, #tpu.memory_space<vmem>> -> memref<57344xf32, #tpu.memory_space<vmem>>
    %dma_wait3A_845 = tpu.memref_slice %arg4[%add3A_840] : memref<38535168xf32, #tpu.memory_space<hbm>> -> memref<57344xf32, #tpu.memory_space<hbm>>
    %dma_wait3A_846 = tpu.memref_slice %arg4[%add3A_840] : memref<38535168xf32, #tpu.memory_space<hbm>> -> memref<57344xf32, #tpu.memory_space<hbm>>
    %dma_wait3A_847 = arith.constant 0 : i32
    %dma_wait3A_848 = tpu.memref_slice %arg6[%dma_wait3A_841, %dma_wait3A_847] : memref<2x57344xf32, #tpu.memory_space<vmem>> -> memref<1x57344xf32, #tpu.memory_space<vmem>>
    %dma_wait3A_849 = tpu.memref_squeeze %dma_wait3A_848 : memref<1x57344xf32, #tpu.memory_space<vmem>> -> memref<57344xf32, #tpu.memory_space<vmem>>
    tpu.wait_dma2 semaphore(%arg10 : memref<!tpu.dma_semaphore, #tpu.memory_space<semaphore_mem>>) src(%dma_wait3A_849 : memref<57344xf32, #tpu.memory_space<vmem>>) dst(%dma_wait3A_846 : memref<57344xf32, #tpu.memory_space<hbm>>)
    %add3A_850 = arith.constant 1146880 : i32
    %add3A_851 = arith.addi %mul3A_2, %add3A_850 : i32
    %dma_start3A_852 = arith.constant 0 : i32
    %dma_start3A_853 = arith.constant 0 : i32
    %dma_start3A_854 = tpu.memref_slice %arg6[%dma_start3A_852, %dma_start3A_853] : memref<2x57344xf32, #tpu.memory_space<vmem>> -> memref<1x57344xf32, #tpu.memory_space<vmem>>
    %dma_start3A_855 = tpu.memref_squeeze %dma_start3A_854 : memref<1x57344xf32, #tpu.memory_space<vmem>> -> memref<57344xf32, #tpu.memory_space<vmem>>
    %dma_start3A_856 = tpu.memref_slice %arg2[%add3A_851] : memref<38535168xf32, #tpu.memory_space<hbm>> -> memref<57344xf32, #tpu.memory_space<hbm>>
    %dma_start3A_857 = arith.constant 0 : i32
    %dma_start3A_858 = tpu.memref_slice %arg6[%dma_start3A_852, %dma_start3A_857] : memref<2x57344xf32, #tpu.memory_space<vmem>> -> memref<1x57344xf32, #tpu.memory_space<vmem>>
    %dma_start3A_859 = tpu.memref_squeeze %dma_start3A_858 : memref<1x57344xf32, #tpu.memory_space<vmem>> -> memref<57344xf32, #tpu.memory_space<vmem>>
    %dma_start3A_860 = tpu.memref_slice %arg2[%add3A_851] : memref<38535168xf32, #tpu.memory_space<hbm>> -> memref<57344xf32, #tpu.memory_space<hbm>>
    tpu.enqueue_dma source(%dma_start3A_860 : memref<57344xf32, #tpu.memory_space<hbm>>) target(%dma_start3A_859 : memref<57344xf32, #tpu.memory_space<vmem>>) target_semaphore(%arg8 : memref<!tpu.dma_semaphore, #tpu.memory_space<semaphore_mem>>)
    %add3A_861 = arith.constant 1089536 : i32
    %add3A_862 = arith.addi %mul3A_2, %add3A_861 : i32
    %dma_wait3A_863 = arith.constant 1 : i32
    %dma_wait3A_864 = arith.constant 0 : i32
    %dma_wait3A_865 = tpu.memref_slice %arg6[%dma_wait3A_863, %dma_wait3A_864] : memref<2x57344xf32, #tpu.memory_space<vmem>> -> memref<1x57344xf32, #tpu.memory_space<vmem>>
    %dma_wait3A_866 = tpu.memref_squeeze %dma_wait3A_865 : memref<1x57344xf32, #tpu.memory_space<vmem>> -> memref<57344xf32, #tpu.memory_space<vmem>>
    %dma_wait3A_867 = tpu.memref_slice %arg2[%add3A_862] : memref<38535168xf32, #tpu.memory_space<hbm>> -> memref<57344xf32, #tpu.memory_space<hbm>>
    %dma_wait3A_868 = arith.constant 0 : i32
    %dma_wait3A_869 = tpu.memref_slice %arg6[%dma_wait3A_863, %dma_wait3A_868] : memref<2x57344xf32, #tpu.memory_space<vmem>> -> memref<1x57344xf32, #tpu.memory_space<vmem>>
    %dma_wait3A_870 = tpu.memref_squeeze %dma_wait3A_869 : memref<1x57344xf32, #tpu.memory_space<vmem>> -> memref<57344xf32, #tpu.memory_space<vmem>>
    %dma_wait3A_871 = tpu.memref_slice %arg2[%add3A_862] : memref<38535168xf32, #tpu.memory_space<hbm>> -> memref<57344xf32, #tpu.memory_space<hbm>>
    tpu.wait_dma2 semaphore(%arg9 : memref<!tpu.dma_semaphore, #tpu.memory_space<semaphore_mem>>) src(%dma_wait3A_871 : memref<57344xf32, #tpu.memory_space<hbm>>) dst(%dma_wait3A_870 : memref<57344xf32, #tpu.memory_space<vmem>>)
    %add3A_872 = arith.constant 1089536 : i32
    %add3A_873 = arith.addi %mul3A_2, %add3A_872 : i32
    %dma_start3A_874 = arith.constant 1 : i32
    %dma_start3A_875 = arith.constant 0 : i32
    %dma_start3A_876 = tpu.memref_slice %arg6[%dma_start3A_874, %dma_start3A_875] : memref<2x57344xf32, #tpu.memory_space<vmem>> -> memref<1x57344xf32, #tpu.memory_space<vmem>>
    %dma_start3A_877 = tpu.memref_squeeze %dma_start3A_876 : memref<1x57344xf32, #tpu.memory_space<vmem>> -> memref<57344xf32, #tpu.memory_space<vmem>>
    %dma_start3A_878 = tpu.memref_slice %arg4[%add3A_873] : memref<38535168xf32, #tpu.memory_space<hbm>> -> memref<57344xf32, #tpu.memory_space<hbm>>
    %dma_start3A_879 = tpu.memref_slice %arg4[%add3A_873] : memref<38535168xf32, #tpu.memory_space<hbm>> -> memref<57344xf32, #tpu.memory_space<hbm>>
    %dma_start3A_880 = arith.constant 0 : i32
    %dma_start3A_881 = tpu.memref_slice %arg6[%dma_start3A_874, %dma_start3A_880] : memref<2x57344xf32, #tpu.memory_space<vmem>> -> memref<1x57344xf32, #tpu.memory_space<vmem>>
    %dma_start3A_882 = tpu.memref_squeeze %dma_start3A_881 : memref<1x57344xf32, #tpu.memory_space<vmem>> -> memref<57344xf32, #tpu.memory_space<vmem>>
    tpu.enqueue_dma source(%dma_start3A_882 : memref<57344xf32, #tpu.memory_space<vmem>>) target(%dma_start3A_879 : memref<57344xf32, #tpu.memory_space<hbm>>) target_semaphore(%arg11 : memref<!tpu.dma_semaphore, #tpu.memory_space<semaphore_mem>>)
    %add3A_883 = arith.constant 1146880 : i32
    %add3A_884 = arith.addi %mul3A_2, %add3A_883 : i32
    %dma_wait3A_885 = arith.constant 0 : i32
    %dma_wait3A_886 = arith.constant 0 : i32
    %dma_wait3A_887 = tpu.memref_slice %arg6[%dma_wait3A_885, %dma_wait3A_886] : memref<2x57344xf32, #tpu.memory_space<vmem>> -> memref<1x57344xf32, #tpu.memory_space<vmem>>
    %dma_wait3A_888 = tpu.memref_squeeze %dma_wait3A_887 : memref<1x57344xf32, #tpu.memory_space<vmem>> -> memref<57344xf32, #tpu.memory_space<vmem>>
    %dma_wait3A_889 = tpu.memref_slice %arg2[%add3A_884] : memref<38535168xf32, #tpu.memory_space<hbm>> -> memref<57344xf32, #tpu.memory_space<hbm>>
    %dma_wait3A_890 = arith.constant 0 : i32
    %dma_wait3A_891 = tpu.memref_slice %arg6[%dma_wait3A_885, %dma_wait3A_890] : memref<2x57344xf32, #tpu.memory_space<vmem>> -> memref<1x57344xf32, #tpu.memory_space<vmem>>
    %dma_wait3A_892 = tpu.memref_squeeze %dma_wait3A_891 : memref<1x57344xf32, #tpu.memory_space<vmem>> -> memref<57344xf32, #tpu.memory_space<vmem>>
    %dma_wait3A_893 = tpu.memref_slice %arg2[%add3A_884] : memref<38535168xf32, #tpu.memory_space<hbm>> -> memref<57344xf32, #tpu.memory_space<hbm>>
    tpu.wait_dma2 semaphore(%arg8 : memref<!tpu.dma_semaphore, #tpu.memory_space<semaphore_mem>>) src(%dma_wait3A_893 : memref<57344xf32, #tpu.memory_space<hbm>>) dst(%dma_wait3A_892 : memref<57344xf32, #tpu.memory_space<vmem>>)
    %add3A_894 = arith.constant 1146880 : i32
    %add3A_895 = arith.addi %mul3A_2, %add3A_894 : i32
    %dma_start3A_896 = arith.constant 0 : i32
    %dma_start3A_897 = arith.constant 0 : i32
    %dma_start3A_898 = tpu.memref_slice %arg6[%dma_start3A_896, %dma_start3A_897] : memref<2x57344xf32, #tpu.memory_space<vmem>> -> memref<1x57344xf32, #tpu.memory_space<vmem>>
    %dma_start3A_899 = tpu.memref_squeeze %dma_start3A_898 : memref<1x57344xf32, #tpu.memory_space<vmem>> -> memref<57344xf32, #tpu.memory_space<vmem>>
    %dma_start3A_900 = tpu.memref_slice %arg4[%add3A_895] : memref<38535168xf32, #tpu.memory_space<hbm>> -> memref<57344xf32, #tpu.memory_space<hbm>>
    %dma_start3A_901 = tpu.memref_slice %arg4[%add3A_895] : memref<38535168xf32, #tpu.memory_space<hbm>> -> memref<57344xf32, #tpu.memory_space<hbm>>
    %dma_start3A_902 = arith.constant 0 : i32
    %dma_start3A_903 = tpu.memref_slice %arg6[%dma_start3A_896, %dma_start3A_902] : memref<2x57344xf32, #tpu.memory_space<vmem>> -> memref<1x57344xf32, #tpu.memory_space<vmem>>
    %dma_start3A_904 = tpu.memref_squeeze %dma_start3A_903 : memref<1x57344xf32, #tpu.memory_space<vmem>> -> memref<57344xf32, #tpu.memory_space<vmem>>
    tpu.enqueue_dma source(%dma_start3A_904 : memref<57344xf32, #tpu.memory_space<vmem>>) target(%dma_start3A_901 : memref<57344xf32, #tpu.memory_space<hbm>>) target_semaphore(%arg10 : memref<!tpu.dma_semaphore, #tpu.memory_space<semaphore_mem>>)
    %add3A_905 = arith.constant 1089536 : i32
    %add3A_906 = arith.addi %mul3A_2, %add3A_905 : i32
    %dma_wait3A_907 = arith.constant 1 : i32
    %dma_wait3A_908 = arith.constant 0 : i32
    %dma_wait3A_909 = tpu.memref_slice %arg6[%dma_wait3A_907, %dma_wait3A_908] : memref<2x57344xf32, #tpu.memory_space<vmem>> -> memref<1x57344xf32, #tpu.memory_space<vmem>>
    %dma_wait3A_910 = tpu.memref_squeeze %dma_wait3A_909 : memref<1x57344xf32, #tpu.memory_space<vmem>> -> memref<57344xf32, #tpu.memory_space<vmem>>
    %dma_wait3A_911 = tpu.memref_slice %arg4[%add3A_906] : memref<38535168xf32, #tpu.memory_space<hbm>> -> memref<57344xf32, #tpu.memory_space<hbm>>
    %dma_wait3A_912 = tpu.memref_slice %arg4[%add3A_906] : memref<38535168xf32, #tpu.memory_space<hbm>> -> memref<57344xf32, #tpu.memory_space<hbm>>
    %dma_wait3A_913 = arith.constant 0 : i32
    %dma_wait3A_914 = tpu.memref_slice %arg6[%dma_wait3A_907, %dma_wait3A_913] : memref<2x57344xf32, #tpu.memory_space<vmem>> -> memref<1x57344xf32, #tpu.memory_space<vmem>>
    %dma_wait3A_915 = tpu.memref_squeeze %dma_wait3A_914 : memref<1x57344xf32, #tpu.memory_space<vmem>> -> memref<57344xf32, #tpu.memory_space<vmem>>
    tpu.wait_dma2 semaphore(%arg11 : memref<!tpu.dma_semaphore, #tpu.memory_space<semaphore_mem>>) src(%dma_wait3A_915 : memref<57344xf32, #tpu.memory_space<vmem>>) dst(%dma_wait3A_912 : memref<57344xf32, #tpu.memory_space<hbm>>)
    %add3A_916 = arith.constant 1146880 : i32
    %add3A_917 = arith.addi %mul3A_2, %add3A_916 : i32
    %dma_wait3A_918 = arith.constant 0 : i32
    %dma_wait3A_919 = arith.constant 0 : i32
    %dma_wait3A_920 = tpu.memref_slice %arg6[%dma_wait3A_918, %dma_wait3A_919] : memref<2x57344xf32, #tpu.memory_space<vmem>> -> memref<1x57344xf32, #tpu.memory_space<vmem>>
    %dma_wait3A_921 = tpu.memref_squeeze %dma_wait3A_920 : memref<1x57344xf32, #tpu.memory_space<vmem>> -> memref<57344xf32, #tpu.memory_space<vmem>>
    %dma_wait3A_922 = tpu.memref_slice %arg4[%add3A_917] : memref<38535168xf32, #tpu.memory_space<hbm>> -> memref<57344xf32, #tpu.memory_space<hbm>>
    %dma_wait3A_923 = tpu.memref_slice %arg4[%add3A_917] : memref<38535168xf32, #tpu.memory_space<hbm>> -> memref<57344xf32, #tpu.memory_space<hbm>>
    %dma_wait3A_924 = arith.constant 0 : i32
    %dma_wait3A_925 = tpu.memref_slice %arg6[%dma_wait3A_918, %dma_wait3A_924] : memref<2x57344xf32, #tpu.memory_space<vmem>> -> memref<1x57344xf32, #tpu.memory_space<vmem>>
    %dma_wait3A_926 = tpu.memref_squeeze %dma_wait3A_925 : memref<1x57344xf32, #tpu.memory_space<vmem>> -> memref<57344xf32, #tpu.memory_space<vmem>>
    tpu.wait_dma2 semaphore(%arg10 : memref<!tpu.dma_semaphore, #tpu.memory_space<semaphore_mem>>) src(%dma_wait3A_926 : memref<57344xf32, #tpu.memory_space<vmem>>) dst(%dma_wait3A_923 : memref<57344xf32, #tpu.memory_space<hbm>>)
    return
  }
}

</mosaic_0001>

<sc_bundles>
// kernel: kernel.3.cloned.1.call-start
scs
__scs_entry_jumppad:
0x0: {  	(pc) =	sbr.rel $0x88, $3  }
0x1: {  	(tag) =	ssettag $0x0;
	lr =	simm.s32 $0x1  }
0x2: {  	[smem:$0x3F9F] =	sst lr;
	_ =	strace $0xD0000000  }
0x3: {  	_ = 	snop  }
0x4: {  	_ = 	snop  }
0x5: {  	_ = 	snop  }
0x6: {  	_ = 	snop  }
0x7: {  	_ = 	snop  }
__scs_overlays_trampoline_lowered:
0x8: {  	[smem:$0x3FAE] =	sst s0  }
0x9: {  	[smem:$0x3FAF] =	sst s1  }
0xa: {  	[smem:$0x3FB0] =	sst s2  }
0xb: {  	[smem:$0x3FB1] =	sst s3  }
0xc: {  	[smem:$0x3FB2] =	sst s4  }
0xd: {  	[smem:$0x3FB3] =	sst s5  }
0xe: {  	[smem:$0x3FB4] =	sst s6  }
0xf: {  	[smem:$0x3FB5] =	sst s7  }
0x10: {  	[smem:$0x3FB6] =	sst s8  }
0x11: {  	[smem:$0x3FB7] =	sst s9;
	s0 =	simm.s32 @!p0 $0x0  }
0x12: {  	s1 =	sld [smem:$0x3F9D];
	s0 =	simm.s32 @p0 $0x1  }
0x13: {  	[smem:$0x3FB8] =	sst s0;
	s0 =	simm.s32 @!p1 $0x0  }
0x14: {  	s2 =	sld [smem:$0x3F9C];
	s0 =	simm.s32 @p1 $0x1  }
0x15: {  	[smem:$0x3FB9] =	sst s0;
	s0 =	simm.s32 @!p2 $0x0  }
0x16: {  	s3 =	sld [smem:$0x3FDB];
	s0 =	simm.s32 @p2 $0x1  }
0x17: {  	s4 =	simm.s32 $0x1BF5;
	[smem:$0x3FBB] =	sst s0  }
0x18: {  	s0 =	sld [smem:$0x3F9E];
	_ =	swait.ge [sflag:s4], $0x0  }
0x19: {  	s7 =	sld [smem:$0x3F9F]  }
0x1a: {  	s8 =	sadd.s32 $0xFFFFE003, lr  }
0x1b: {  	s9 =	sadd.s32 $0xFFFFFEF7, lr;
	s5 =	simm.s32 $0xFFFFFFFF;
	p2 =	slt.u32 s8, $0xFFFFF086  }
0x1c: {  	p1 =	slt.u32 s9, $0xF7A;
	s5 =	simm.s32 @!p2 $0x0  }
0x1d: {  	s5 =	simm.s32 @p1 $0x1;
	p0 =	seq.s32 s7, s2  }
0x1e: {  	s7 =	smul.u32 @!p0 $0xF7A, s2;
	p2 =	seq.s32 @!p0 s5, $0x0  }
0x1f: {  	s9 =	smul.u32 $0xF7A, s1;
	s8 =	simm.s32 @!p0 $0x1BF5;
	p2 =	por !p2, p0  }
0x20: {  	[sflag:s8] =	ssyncset.s32 @!p0 $0xFFFFF086;
	s6 =	sadd.s32 @!p0 s3, s7;
	s7 =	simm.s32 @!p0 $0x108  }
0x21: {  	s3 =	sadd.s32 s3, s9;
	s6 =	sadd.s32 @!p0 $0x88, s6;
	s7 =	simm.s32 @p2 $0x1082  }
0x22: {  	[simem:s7], [sflag:s8] =	dma.local @!p0 [hbm:s6], $0xF7A  }
0x23: {  	s9 =	sor.u32 $0xD0000000, s2;
	s6 =	simm.s32 $0x108;
	_ =	swait.ge @!p0 [sflag:s8], $0x0  }
0x24: {  	s3 =	sadd.s32 $0x88, s3;
	s6 =	simm.s32 @!p1 $0x1082;
	[sflag:s4] =	ssyncset.s32 $0xFFFFF086  }
0x25: {  	[simem:s6], [sflag:s4] =	dma.local [hbm:s3], $0xF7A  }
0x26: {  	[smem:$0x3F9F] =	sst s1;
	(tag) =	ssettag s2;
	_ =	strace s9  }
0x27: {  	s1 =	sld [smem:$0x3FAF]  }
0x28: {  	s2 =	sld [smem:$0x3FB0]  }
0x29: {  	s4 =	sld [smem:$0x3FB2]  }
0x2a: {  	p0 =	seq.s32 s5, $0x0;
	s5 =	sld [smem:$0x3FB3]  }
0x2b: {  	s6 =	sld [smem:$0x3FB4]  }
0x2c: {  	s7 =	sld [smem:$0x3FB5]  }
0x2d: {  	s3 =	simm.s32 $0x108;
	s8 =	sld [smem:$0x3FB6]  }
0x2e: {  	s3 =	simm.s32 @!p0 $0x1082;
	s9 =	sld [smem:$0x3FB7]  }
0x2f: {  	lr =	sadd.s32 s0, s3;
	s0 =	sld [smem:$0x3FAE]  }
0x30: {  	s3 =	sld [smem:$0x3FB1]  }
0x31: {  	[smem:$0x3FBA] =	sst s10  }
0x32: {  	s10 =	sld [smem:$0x3FB8];
	_ =	sdelay $0x3  }
0x33: {  	p0 =	seq.s32 s10, $0x1;
	s10 =	sld [smem:$0x3FBA];
	_ =	sdelay $0x3  }
0x34: {  	[smem:$0x3FBA] =	sst s10  }
0x35: {  	s10 =	sld [smem:$0x3FB9];
	_ =	sdelay $0x3  }
0x36: {  	p1 =	seq.s32 s10, $0x1;
	s10 =	sld [smem:$0x3FBA];
	_ =	sdelay $0x3  }
0x37: {  	[smem:$0x3FBA] =	sst s10  }
0x38: {  	s10 =	sld [smem:$0x3FBB]  }
0x39: {  	_ = 	snop;
	(pc) =	sbr.ind lr, $3  }
0x3a: {  	_ = 	snop  }
0x3b: {  	_ = 	snop  }
0x3c: {  	p2 =	seq.s32 s10, $0x1;
	s10 =	sld [smem:$0x3FBA]  }
0x3d: {  	_ =	shalt  }
0x3e: {  	_ =	shalt  }
0x3f: {  	_ =	shalt  }
0x40: {  	_ =	shalt  }
0x41: {  	_ =	shalt  }
0x42: {  	_ =	shalt  }
0x43: {  	_ =	shalt  }
0x44: {  	_ =	shalt  }
0x45: {  	_ =	shalt  }
0x46: {  	_ =	shalt  }
0x47: {  	_ =	shalt  }
0x48: {  	_ =	shalt  }
0x49: {  	_ =	shalt  }
0x4a: {  	_ =	shalt  }
0x4b: {  	_ =	shalt  }
0x4c: {  	_ =	shalt  }
0x4d: {  	_ =	shalt  }
0x4e: {  	_ =	shalt  }
0x4f: {  	_ =	shalt  }
0x50: {  	_ =	shalt  }
0x51: {  	_ =	shalt  }
0x52: {  	_ =	shalt  }
0x53: {  	_ =	shalt  }
0x54: {  	_ =	shalt  }
0x55: {  	_ =	shalt  }
0x56: {  	_ =	shalt  }
0x57: {  	_ =	shalt  }
0x58: {  	_ =	shalt  }
0x59: {  	_ =	shalt  }
0x5a: {  	_ =	shalt  }
0x5b: {  	_ =	shalt  }
0x5c: {  	_ =	shalt  }
0x5d: {  	_ =	shalt  }
0x5e: {  	_ =	shalt  }
0x5f: {  	_ =	shalt  }
0x60: {  	_ =	shalt  }
0x61: {  	_ =	shalt  }
0x62: {  	_ =	shalt  }
0x63: {  	_ =	shalt  }
0x64: {  	_ =	shalt  }
0x65: {  	_ =	shalt  }
0x66: {  	_ =	shalt  }
0x67: {  	_ =	shalt  }
0x68: {  	_ =	shalt  }
0x69: {  	_ =	shalt  }
0x6a: {  	_ =	shalt  }
0x6b: {  	_ =	shalt  }
0x6c: {  	_ =	shalt  }
0x6d: {  	_ =	shalt  }
0x6e: {  	_ =	shalt  }
0x6f: {  	_ =	shalt  }
0x70: {  	_ =	shalt  }
0x71: {  	_ =	shalt  }
0x72: {  	_ =	shalt  }
0x73: {  	_ =	shalt  }
0x74: {  	_ =	shalt  }
0x75: {  	_ =	shalt  }
0x76: {  	_ =	shalt  }
0x77: {  	_ =	shalt  }
0x78: {  	_ =	shalt  }
0x79: {  	_ =	shalt  }
0x7a: {  	_ =	shalt  }
0x7b: {  	_ =	shalt  }
0x7c: {  	_ =	shalt  }
0x7d: {  	_ =	shalt  }
0x7e: {  	_ =	shalt  }
0x7f: {  	_ =	shalt  }
0x80: {  	_ =	shalt  }
0x81: {  	_ =	shalt  }
0x82: {  	_ =	shalt  }
0x83: {  	_ =	shalt  }
0x84: {  	_ =	shalt  }
0x85: {  	_ =	shalt  }
0x86: {  	_ =	shalt  }
0x87: {  	_ =	shalt  }
.Lfunc_end0:
.L_simem_size_0:
called_computation.1_lowered:
.L_overlay_start_0:
0x88: {  	s2 =	sld [smem:$0x3FD9]  }
0x89: {  	s3 =	sld [smem:$0x3FFE];
	_ =	sdelay $0x1  }
0x8a: {  	s1 =	srdreg.scid  }
0x8b: {  	s0 =	sand.u32 $0x1, s1  }
0x8c: {  	s14 =	sshll.u32 s0, $0xA;
	s2 =	sadd.s32 s3, s2  }
0x8d: {  	s2 =	sadd.s32 s2, s14  }
0x8e: {  	[smem:$0x3FC6] =	sst s2  }
0x8f: {  	_ = 	snop  }
0x90: {  	s2 =	sld [smem:$0x3FD0];
	_ =	sdelay $0x2  }
0x91: {  	s4 =	simm.s32 $0xA;
	s5 =	simm.s32 $0x10;
	s15 =	sld [smem:$0x3FC8]  }
0x92: {  	[smem:s5], [sflag:s4] =	dma.local [hbm:s2], $0x1  }
0x93: {  	_ =	swait.eq [sflag:s4], $0x1  }
0x94: {  	[sflag:s4] =	ssyncset.done $0x0  }
0x95: {  	s16 =	sld [smem:$0x10];
	[sflag:s4] =	ssyncadd.s32 $0xFFFFFFFF  }
0x96: {  	s17 =	sld [smem:$0x11];
	(tm) =	ssettm $0x1  }
0x97: {  	s18 =	sld [smem:$0x3FFB];
	_ =	sdelay $0x3  }
0x98: {  	_ =	strace s18  }
0x99: {  	s5 =	sld [smem:$0x3FFC];
	_ =	sdelay $0x3  }
0x9a: {  	_ =	strace s5  }
0x9b: {  	s5 =	sld [smem:$0x3FFD];
	_ =	sdelay $0x3  }
0x9c: {  	_ =	strace s5  }
0x9d: {  	_ =	strace $0x8FFFFFFF  }
0x9e: {  	s19 =	sld [smem:$0x3FDB];
	_ =	sdelay $0x1  }
0x9f: {  	s6 =	simm.s32 $_scs_section_size  }
0xa0: {  	s7 =	simm.s32 $_size__tile_overlayer_lowered;
	s8 =	simm.s32 $_tile_overlayer_lowered  }
0xa1: {  	s22 =	simm.s32 $0x1BFF;
	s21 =	sshll.u32 s8, $0x1;
	s5 =	sadd.s32 s6, s19  }
0xa2: {  	s9 =	simm.s32 $0x0;
	s20 =	sshll.u32 s7, $0x1;
	s7 =	sadd.s32 s21, s5  }
0xa3: {  	[timem:s9], [sflag:s22] =	dma.local [hbm:s7], s20  }
0xa4: {  	_ =	swait.ge [sflag:s22], s20  }
0xa5: {  	s6 =	ssub.s32 $0x0, s20;
	[sflag:s22] =	ssyncset.done $0x0  }
0xa6: {  	[sflag:s22] =	ssyncadd.s32 s6;
	_ =	sdelay $0x1  }
0xa7: {  	s23 =	simm.s32 $0x1B8B  }
0xa8: {  	_ =	swait.ge [sflag:s23], $0x1  }
0xa9: {  	[sflag:s23] =	ssyncset.done $0x0  }
0xaa: {  	s25 =	simm.s32 $0x1B8E;
	s24 =	sld [smem:$0x3FFE];
	[sflag:s23] =	ssyncadd.s32 $0xFFFFFFFF  }
0xab: {  	s26 =	simm.s32 $execute0_lowered;
	[smem:$0x3FD2] =	sst s25  }
0xac: {  	s7 =	sshll.u32 s26, $0x1;
	_ =	strace $0x80000049;
	[dreg:$0x1] =	wrdreg $0xFFFFFFFF  }
0xad: {  	s28 =	simm.s32 $_size_execute0_lowered;
	s5 =	sadd.s32 s5, s7;
	[dreg:$0x0] =	wrdreg $0x0  }
0xae: {  	s7 =	sshll.u32 s28, $0x1;
	[dreg:$0x2] =	wrdreg s5  }
0xaf: {  	[dreg:$0x3] =	wrdreg s7  }
0xb0: {  	[dreg:$0x4] =	wrdreg $0xC0  }
0xb1: {  	_ =	task [dreg:s9], $0x5FFFF  }
0xb2: {  	[dreg:$0x1] =	wrdreg $0xFFFFFFFF  }
0xb3: {  	[dreg:$0x0] =	wrdreg $0x60  }
0xb4: {  	[dreg:$0x2] =	wrdreg s16  }
0xb5: {  	[dreg:$0x3] =	wrdreg s15  }
0xb6: {  	[dreg:$0x4] =	wrdreg s24  }
0xb7: {  	[dreg:$0x5] =	wrdreg s17  }
0xb8: {  	[dreg:$0x6] =	wrdreg $0x9  }
0xb9: {  	_ =	task.clear_ibuf [dreg:s9], $0x7FFFF;
	_ =	strace $0x90000049  }
0xba: {  	s29 =	simm.s32 $0x9;
	_ =	strace $0x8000004B  }
0xbb: {  	_ =	swait.ge [sflag:s29], $0x1  }
0xbc: {  	[sflag:s29] =	ssyncadd.s32 $0xFFFFFFFF  }
0xbd: {  	_ =	strace $0x9000004B  }
0xbe: {  	_ =	sfence  }
0xbf: {  	s30 =	sld [smem:$0x0];
	_ =	sdelay $0x2  }
0xc0: {  	s31 =	sshll.u32 s1, $0xD;
	s1 =	sshrl.u32 s1, $0x2  }
0xc1: {  	s3 =	sand.u32 $0x4000, s31;
	s1 =	sadd.s32 s1, s30  }
0xc2: {  	s0 =	sor.u32 s3, s0;
	s1 =	sshll.u32 s1, $0x11  }
0xc3: {  	s0 =	sor.u32 s1, s0  }
0xc4: {  	s0 =	sadd.s32 $0x8F2B, s0  }
0xc5: {  	[sflag:s0] =	ssyncadd.remote.s32 $0x1  }
0xc6: {  	_ =	sfence.sel $0xFFFF  }
0xc7: {  	[dreg:$0x0] =	wrdreg $0xFFFFFFFF;
	(pc) =	sbr.abs _section_cstart, $3  }
0xc8: {  	[dreg:$0x1] =	wrdreg $0xFFFFFFFF  }
0xc9: {  	_ =	task.clear_ibuf [dreg:s9], $0x2FFFF;
	_ =	strace $0x9FFFFFFF  }
0xca: {  	(tm) =	ssettm $0x7FFFFFFF  }
0xcb: {  	_ =	shalt  }
tec
execute0_lowered:
.L_overlay_start_1:
0x0: {  	(tag) =	ssettag $0x1  }
0x1: {  	s0 =	srdreg.scid;
	s1 =	stileid.u32  }
0x2: {  	s0 =	sand.u32 $0x1, s0;
	s1 =	sshll.u32 s1, $0x1  }
0x3: {  	s11 =	rddreg [dreg:$0x0];
	s15 =	sor.u32 s0, s1  }
0x4: {  	s3 =	rddreg [dreg:$0x2];
	s0 =	ssub.s32 $0x2, s0;
	s2 =	smul.u32 $0x126000, s15  }
0x5: {  	s13 =	sadd.s32 $0xC00, s3;
	s1 =	simm.s32 $0x0;
	s4 =	sshrl.u32 s0, $0x1  }
0x6: {  	[smem:$0x7FF] =	sst s1;
	s16 =	ssub.s32 s0, s4;
	s10 =	sshrl.u32 s2, $0x3  }
0x7: {  	s3 =	sadd.s32 $0x1C00, s10;
	s5 =	sadd.s32 $0x3800, s10;
	s6 =	sadd.s32 $0x5400, s10  }
0x8: {  	s8 =	sadd.s32 $0x7000, s10;
	s9 =	sadd.s32 $0x8C00, s10;
	s4 =	sadd.s32 s11, s3  }
0x9: {  	s12 =	sadd.s32 $0xA800, s10;
	s0 =	sadd.s32 s13, s3;
	[dreg:$0x5] =	wrdreg s4  }
0xa: {  	s14 =	sadd.s32 $0xC400, s10;
	s7 =	sadd.s32 s13, s5;
	[dreg:$0x7] =	wrdreg s0  }
0xb: {  	s17 =	sadd.s32 $0xE000, s10;
	s3 =	sadd.s32 s13, s6;
	[dreg:$0x9] =	wrdreg s7  }
0xc: {  	s18 =	sadd.s32 s11, s5;
	s2 =	sadd.s32 s13, s9;
	[dreg:$0xb] =	wrdreg s3  }
0xd: {  	s19 =	sadd.s32 s11, s6;
	s0 =	sadd.s32 s13, s8;
	[dreg:$0xf] =	wrdreg s2  }
0xe: {  	s21 =	sadd.s32 s11, s9;
	s3 =	sadd.s32 s13, s14;
	[dreg:$0xd] =	wrdreg s0  }
0xf: {  	s9 =	sadd.s32 $0x1A400, s10;
	s0 =	sadd.s32 s13, s12;
	[dreg:$0x13] =	wrdreg s3  }
0x10: {  	s22 =	sadd.s32 s11, s12;
	s12 =	sadd.s32 s11, s9;
	[dreg:$0x11] =	wrdreg s0  }
0x11: {  	s3 =	sadd.s32 $0x11800, s10;
	s0 =	sadd.s32 s13, s17;
	[smem:$0x7FB] =	sst s12  }
0x12: {  	s20 =	sadd.s32 s11, s8;
	s4 =	sadd.s32 s11, s3;
	[dreg:$0x15] =	wrdreg s0  }
0x13: {  	s5 =	sadd.s32 $0x13400, s10;
	[dreg:$0x17] =	wrdreg s4;
	s0 =	sadd.s32 s13, s3  }
0x14: {  	s6 =	sadd.s32 $0x15000, s10;
	[dreg:$0x18] =	wrdreg s0;
	s0 =	sadd.s32 s13, s5  }
0x15: {  	s7 =	sadd.s32 $0x16C00, s10;
	[dreg:$0x1a] =	wrdreg s0;
	s0 =	sadd.s32 s13, s6  }
0x16: {  	s8 =	sadd.s32 $0x18800, s10;
	[dreg:$0x1c] =	wrdreg s0;
	s0 =	sadd.s32 s13, s7  }
0x17: {  	[dreg:$0x1e] =	wrdreg s0;
	s0 =	sadd.s32 s13, s8  }
0x18: {  	s24 =	sadd.s32 s11, s17;
	s17 =	smax.u32 s16, $0x1;
	[smem:$0x7FA] =	sst s0  }
0x19: {  	_ =	strace $0x8000004A;
	[smem:$0x7FC] =	sst s17  }
0x1a: {  	p0 =	sne.s32 s15, $0x0;
	s26 =	sadd.s32 $0xFC00, s10;
	[dreg:$0x6] =	wrdreg s18  }
0x1b: {  	s23 =	sadd.s32 s11, s14;
	s25 =	sadd.s32 s11, s26;
	[dreg:$0x8] =	wrdreg s19  }
0x1c: {  	s26 =	sadd.s32 s13, s26;
	s28 =	sadd.s32 s11, s5;
	[dreg:$0xa] =	wrdreg s20  }
0x1d: {  	s29 =	sadd.s32 s11, s6;
	s14 =	sadd.s32 $0x1C000, s10;
	[dreg:$0xc] =	wrdreg s21  }
0x1e: {  	s30 =	sadd.s32 s11, s7;
	s31 =	sadd.s32 s11, s8;
	[dreg:$0xe] =	wrdreg s22  }
0x1f: {  	s2 =	sadd.s32 s11, s14;
	s12 =	sadd.s32 $0x21400, s10;
	[dreg:$0x10] =	wrdreg s23  }
0x20: {  	s16 =	simm.s32 $0x0;
	s3 =	sadd.s32 s13, s14;
	[dreg:$0x12] =	wrdreg s24  }
0x21: {  	s14 =	sadd.s32 $0x23000, s10;
	s5 =	sadd.s32 $0x1DC00, s10;
	[dreg:$0x14] =	wrdreg s25  }
0x22: {  	s4 =	sadd.s32 s11, s5;
	s7 =	sadd.s32 $0x1F800, s10;
	[dreg:$0x16] =	wrdreg s26  }
0x23: {  	s5 =	sadd.s32 s13, s5;
	s6 =	sadd.s32 s11, s7;
	[dreg:$0x19] =	wrdreg s28  }
0x24: {  	s7 =	sadd.s32 s13, s7;
	s8 =	sadd.s32 s11, s10;
	[dreg:$0x1b] =	wrdreg s29  }
0x25: {  	s0 =	sadd.s32 s13, s9;
	s9 =	sadd.s32 s13, s10;
	[dreg:$0x1d] =	wrdreg s30  }
0x26: {  	s10 =	sadd.s32 s11, s12;
	s11 =	sadd.s32 s11, s14;
	[dreg:$0x1f] =	wrdreg s31  }
0x27: {  	s12 =	sadd.s32 s13, s12;
	s13 =	sadd.s32 s13, s14;
	[smem:$0x7FD] =	sst s0  }
.LBB2_1:
0x28: {  	[smem:$0x7F9] =	sst s16;
	s14 =	simm.s32 @!p0 $0x0  }
0x29: {  	s15 =	simm.s32 @!p0 $0x1C000;
	s0 =	rddreg [dreg:$0x1];
	s16 =	simm.s32 @!p0 $0x5  }
0x2a: {  	[tilespmem:s15], [sflag:$0x5] =	stream.linear.gather @!p0 [hbm4b:s0+s14], $0x100, $0x38;
	[tilespmem:$0x1C100] =	vst v63  }
0x2b: {  	_ =	swait.ge @!p0 [sflag:s16], $0x100  }
0x2c: {  	[sflag:s16] =	ssyncset.done @!p0 $0x0  }
0x2d: {  	[sflag:s16] =	ssyncadd.s32 @!p0 $0xFFFFFF00  }
0x2e: {  	s0 =	rddreg [dreg:$0x3]  }
0x2f: {  	[hbm4b:s0+s14] =	stream.linear.scatter @!p0 [tilespmem:s15], [sflag:$0x5], $0x100, $0x38;
	[tilespmem:$0x1C100] =	vst v63  }
0x30: {  	_ =	swait.ge @!p0 [sflag:s16], $0x100  }
0x31: {  	s17 =	sadd.s32 $0x0, s8;
	s14 =	simm.s32 $0x10;
	[sflag:s16] =	ssyncset.done @!p0 $0x0  }
0x32: {  	s15 =	simm.s32 $0x100;
	[sflag:s16] =	ssyncadd.s32 @!p0 $0xFFFFFF00;
	s16 =	simm.s32 $0x0  }
.LBB2_2:
0x33: {  	[tilespmem:s16], [sflag:$0x1] =	stream.linear.gather [hbm4b:s17+s1], $0x80, $0x38;
	[tilespmem:$0x1C100] =	vst v63  }
0x34: {  	s17 =	smov.u32 s14;
	s16 =	smov.u32 s15;
	p1 =	sne.s32 s14, $0x1BF0  }
.Ltmp0:
0x35: {  	s14 =	sadd.s32 $0x10, s14;
	(pc) =	sbr.rel @p1 .LBB2_2-.Ltmp0, $2  }
0x36: {  	_ =	sdelay $0x2  }
0x37: {  	s15 =	sadd.s32 $0x100, s15;
	s17 =	sadd.s32 s17, s8  }
0x38: {  	[tilespmem:s16], [sflag:$0x1] =	stream.linear.gather [hbm4b:s17+s1], $0x80, $0x38;
	[tilespmem:$0x1C100] =	vst v63  }
0x39: {  	s14 =	simm.s32 $0x80;
	s15 =	simm.s32 $0x10;
	s18 =	rddreg [dreg:$0x5]  }
0x3a: {  	s16 =	simm.s32 $0x180;
	s0 =	sld [smem:$0x7FB];
	s17 =	sadd.s32 $0x0, s18  }
.LBB2_4:
0x3b: {  	[tilespmem:s14], [sflag:$0x2] =	stream.linear.gather [hbm4b:s17+s1], $0x80, $0x38;
	[tilespmem:$0x1C100] =	vst v63  }
0x3c: {  	s17 =	smov.u32 s15;
	s14 =	smov.u32 s16;
	p1 =	sne.s32 s15, $0x1BF0  }
.Ltmp1:
0x3d: {  	s15 =	sadd.s32 $0x10, s15;
	(pc) =	sbr.rel @p1 .LBB2_4-.Ltmp1, $2  }
0x3e: {  	_ =	sdelay $0x2  }
0x3f: {  	s16 =	sadd.s32 $0x100, s16;
	s17 =	sadd.s32 s17, s18  }
0x40: {  	[tilespmem:s14], [sflag:$0x2] =	stream.linear.gather [hbm4b:s17+s1], $0x80, $0x38;
	[tilespmem:$0x1C100] =	vst v63  }
0x41: {  	s26 =	simm.s32 $0x1  }
0x42: {  	_ =	swait.ge [sflag:s26], $0xE000  }
0x43: {  	s14 =	simm.s32 $0x0;
	s15 =	simm.s32 $0x10;
	[sflag:s26] =	ssyncset.done $0x0  }
0x44: {  	s17 =	sadd.s32 $0x0, s9;
	s16 =	simm.s32 $0x100;
	[sflag:s26] =	ssyncadd.s32 $0xFFFF2000  }
.LBB2_6:
0x45: {  	[hbm4b:s17+s1] =	stream.linear.scatter [tilespmem:s14], [sflag:$0x3], $0x80, $0x38;
	[tilespmem:$0x1C100] =	vst v63  }
0x46: {  	s17 =	smov.u32 s15;
	s14 =	smov.u32 s16;
	p1 =	sne.s32 s15, $0x1BF0  }
.Ltmp2:
0x47: {  	s15 =	sadd.s32 $0x10, s15;
	(pc) =	sbr.rel @p1 .LBB2_6-.Ltmp2, $2  }
0x48: {  	_ =	sdelay $0x2  }
0x49: {  	s16 =	sadd.s32 $0x100, s16;
	s17 =	sadd.s32 s17, s9  }
0x4a: {  	[hbm4b:s17+s1] =	stream.linear.scatter [tilespmem:s14], [sflag:$0x3], $0x80, $0x38;
	[tilespmem:$0x1C100] =	vst v63  }
0x4b: {  	s26 =	simm.s32 $0x3  }
0x4c: {  	s14 =	simm.s32 $0x0;
	_ =	swait.ge [sflag:s26], $0xE000  }
0x4d: {  	s15 =	simm.s32 $0x10;
	[sflag:s26] =	ssyncset.done $0x0;
	s18 =	rddreg [dreg:$0x6]  }
0x4e: {  	s16 =	simm.s32 $0x100;
	[sflag:s26] =	ssyncadd.s32 $0xFFFF2000;
	s17 =	sadd.s32 $0x0, s18  }
.LBB2_8:
0x4f: {  	[tilespmem:s14], [sflag:$0x1] =	stream.linear.gather [hbm4b:s17+s1], $0x80, $0x38;
	[tilespmem:$0x1C100] =	vst v63  }
0x50: {  	s17 =	smov.u32 s15;
	s14 =	smov.u32 s16;
	p1 =	sne.s32 s15, $0x1BF0  }
.Ltmp3:
0x51: {  	s15 =	sadd.s32 $0x10, s15;
	(pc) =	sbr.rel @p1 .LBB2_8-.Ltmp3, $2  }
0x52: {  	_ =	sdelay $0x2  }
0x53: {  	s16 =	sadd.s32 $0x100, s16;
	s17 =	sadd.s32 s17, s18  }
0x54: {  	[tilespmem:s14], [sflag:$0x1] =	stream.linear.gather [hbm4b:s17+s1], $0x80, $0x38;
	[tilespmem:$0x1C100] =	vst v63  }
0x55: {  	s26 =	simm.s32 $0x2  }
0x56: {  	s14 =	simm.s32 $0x80;
	_ =	swait.ge [sflag:s26], $0xE000  }
0x57: {  	s15 =	simm.s32 $0x10;
	[sflag:s26] =	ssyncset.done $0x0;
	s19 =	rddreg [dreg:$0x7]  }
0x58: {  	s16 =	simm.s32 $0x180;
	[sflag:s26] =	ssyncadd.s32 $0xFFFF2000;
	s17 =	sadd.s32 $0x0, s19  }
.LBB2_10:
0x59: {  	[hbm4b:s17+s1] =	stream.linear.scatter [tilespmem:s14], [sflag:$0x4], $0x80, $0x38;
	[tilespmem:$0x1C100] =	vst v63  }
0x5a: {  	s17 =	smov.u32 s15;
	s14 =	smov.u32 s16;
	p1 =	sne.s32 s15, $0x1BF0  }
.Ltmp4:
0x5b: {  	s15 =	sadd.s32 $0x10, s15;
	(pc) =	sbr.rel @p1 .LBB2_10-.Ltmp4, $2  }
0x5c: {  	_ =	sdelay $0x2  }
0x5d: {  	s16 =	sadd.s32 $0x100, s16;
	s17 =	sadd.s32 s17, s19  }
0x5e: {  	[hbm4b:s17+s1] =	stream.linear.scatter [tilespmem:s14], [sflag:$0x4], $0x80, $0x38;
	[tilespmem:$0x1C100] =	vst v63  }
0x5f: {  	s26 =	simm.s32 $0x4  }
0x60: {  	s14 =	simm.s32 $0x80;
	_ =	swait.ge [sflag:s26], $0xE000  }
0x61: {  	s15 =	simm.s32 $0x10;
	[sflag:s26] =	ssyncset.done $0x0;
	s19 =	rddreg [dreg:$0x8]  }
0x62: {  	s16 =	simm.s32 $0x180;
	[sflag:s26] =	ssyncadd.s32 $0xFFFF2000;
	s17 =	sadd.s32 $0x0, s19  }
.LBB2_12:
0x63: {  	[tilespmem:s14], [sflag:$0x2] =	stream.linear.gather [hbm4b:s17+s1], $0x80, $0x38;
	[tilespmem:$0x1C100] =	vst v63  }
0x64: {  	s17 =	smov.u32 s15;
	s14 =	smov.u32 s16;
	p1 =	sne.s32 s15, $0x1BF0  }
.Ltmp5:
0x65: {  	s15 =	sadd.s32 $0x10, s15;
	(pc) =	sbr.rel @p1 .LBB2_12-.Ltmp5, $2  }
0x66: {  	_ =	sdelay $0x2  }
0x67: {  	s16 =	sadd.s32 $0x100, s16;
	s17 =	sadd.s32 s17, s19  }
0x68: {  	[tilespmem:s14], [sflag:$0x2] =	stream.linear.gather [hbm4b:s17+s1], $0x80, $0x38;
	[tilespmem:$0x1C100] =	vst v63  }
0x69: {  	s26 =	simm.s32 $0x1  }
0x6a: {  	s14 =	simm.s32 $0x0;
	_ =	swait.ge [sflag:s26], $0xE000  }
0x6b: {  	s15 =	simm.s32 $0x10;
	[sflag:s26] =	ssyncset.done $0x0;
	s20 =	rddreg [dreg:$0x9]  }
0x6c: {  	s16 =	simm.s32 $0x100;
	[sflag:s26] =	ssyncadd.s32 $0xFFFF2000;
	s17 =	sadd.s32 $0x0, s20  }
.LBB2_14:
0x6d: {  	[hbm4b:s17+s1] =	stream.linear.scatter [tilespmem:s14], [sflag:$0x3], $0x80, $0x38;
	[tilespmem:$0x1C100] =	vst v63  }
0x6e: {  	s17 =	smov.u32 s15;
	s14 =	smov.u32 s16;
	p1 =	sne.s32 s15, $0x1BF0  }
.Ltmp6:
0x6f: {  	s15 =	sadd.s32 $0x10, s15;
	(pc) =	sbr.rel @p1 .LBB2_14-.Ltmp6, $2  }
0x70: {  	_ =	sdelay $0x2  }
0x71: {  	s16 =	sadd.s32 $0x100, s16;
	s17 =	sadd.s32 s17, s20  }
0x72: {  	[hbm4b:s17+s1] =	stream.linear.scatter [tilespmem:s14], [sflag:$0x3], $0x80, $0x38;
	[tilespmem:$0x1C100] =	vst v63  }
0x73: {  	s26 =	simm.s32 $0x3  }
0x74: {  	s14 =	simm.s32 $0x0;
	_ =	swait.ge [sflag:s26], $0xE000  }
0x75: {  	s15 =	simm.s32 $0x10;
	[sflag:s26] =	ssyncset.done $0x0;
	s20 =	rddreg [dreg:$0xa]  }
0x76: {  	s16 =	simm.s32 $0x100;
	[sflag:s26] =	ssyncadd.s32 $0xFFFF2000;
	s17 =	sadd.s32 $0x0, s20  }
.LBB2_16:
0x77: {  	[tilespmem:s14], [sflag:$0x1] =	stream.linear.gather [hbm4b:s17+s1], $0x80, $0x38;
	[tilespmem:$0x1C100] =	vst v63  }
0x78: {  	s17 =	smov.u32 s15;
	s14 =	smov.u32 s16;
	p1 =	sne.s32 s15, $0x1BF0  }
.Ltmp7:
0x79: {  	s15 =	sadd.s32 $0x10, s15;
	(pc) =	sbr.rel @p1 .LBB2_16-.Ltmp7, $2  }
0x7a: {  	_ =	sdelay $0x2  }
0x7b: {  	s16 =	sadd.s32 $0x100, s16;
	s17 =	sadd.s32 s17, s20  }
0x7c: {  	[tilespmem:s14], [sflag:$0x1] =	stream.linear.gather [hbm4b:s17+s1], $0x80, $0x38;
	[tilespmem:$0x1C100] =	vst v63  }
0x7d: {  	s26 =	simm.s32 $0x2  }
0x7e: {  	s14 =	simm.s32 $0x80;
	_ =	swait.ge [sflag:s26], $0xE000  }
0x7f: {  	s15 =	simm.s32 $0x10;
	[sflag:s26] =	ssyncset.done $0x0;
	s21 =	rddreg [dreg:$0xb]  }
0x80: {  	s16 =	simm.s32 $0x180;
	[sflag:s26] =	ssyncadd.s32 $0xFFFF2000;
	s17 =	sadd.s32 $0x0, s21  }
.LBB2_18:
0x81: {  	[hbm4b:s17+s1] =	stream.linear.scatter [tilespmem:s14], [sflag:$0x4], $0x80, $0x38;
	[tilespmem:$0x1C100] =	vst v63  }
0x82: {  	s17 =	smov.u32 s15;
	s14 =	smov.u32 s16;
	p1 =	sne.s32 s15, $0x1BF0  }
.Ltmp8:
0x83: {  	s15 =	sadd.s32 $0x10, s15;
	(pc) =	sbr.rel @p1 .LBB2_18-.Ltmp8, $2  }
0x84: {  	_ =	sdelay $0x2  }
0x85: {  	s16 =	sadd.s32 $0x100, s16;
	s17 =	sadd.s32 s17, s21  }
0x86: {  	[hbm4b:s17+s1] =	stream.linear.scatter [tilespmem:s14], [sflag:$0x4], $0x80, $0x38;
	[tilespmem:$0x1C100] =	vst v63  }
0x87: {  	s26 =	simm.s32 $0x4  }
0x88: {  	s14 =	simm.s32 $0x80;
	_ =	swait.ge [sflag:s26], $0xE000  }
0x89: {  	s15 =	simm.s32 $0x10;
	[sflag:s26] =	ssyncset.done $0x0;
	s21 =	rddreg [dreg:$0xc]  }
0x8a: {  	s16 =	simm.s32 $0x180;
	[sflag:s26] =	ssyncadd.s32 $0xFFFF2000;
	s17 =	sadd.s32 $0x0, s21  }
.LBB2_20:
0x8b: {  	[tilespmem:s14], [sflag:$0x2] =	stream.linear.gather [hbm4b:s17+s1], $0x80, $0x38;
	[tilespmem:$0x1C100] =	vst v63  }
0x8c: {  	s17 =	smov.u32 s15;
	s14 =	smov.u32 s16;
	p1 =	sne.s32 s15, $0x1BF0  }
.Ltmp9:
0x8d: {  	s15 =	sadd.s32 $0x10, s15;
	(pc) =	sbr.rel @p1 .LBB2_20-.Ltmp9, $2  }
0x8e: {  	_ =	sdelay $0x2  }
0x8f: {  	s16 =	sadd.s32 $0x100, s16;
	s17 =	sadd.s32 s17, s21  }
0x90: {  	[tilespmem:s14], [sflag:$0x2] =	stream.linear.gather [hbm4b:s17+s1], $0x80, $0x38;
	[tilespmem:$0x1C100] =	vst v63  }
0x91: {  	s26 =	simm.s32 $0x1  }
0x92: {  	s14 =	simm.s32 $0x0;
	_ =	swait.ge [sflag:s26], $0xE000  }
0x93: {  	s15 =	simm.s32 $0x10;
	[sflag:s26] =	ssyncset.done $0x0;
	s22 =	rddreg [dreg:$0xd]  }
0x94: {  	s16 =	simm.s32 $0x100;
	[sflag:s26] =	ssyncadd.s32 $0xFFFF2000;
	s17 =	sadd.s32 $0x0, s22  }
.LBB2_22:
0x95: {  	[hbm4b:s17+s1] =	stream.linear.scatter [tilespmem:s14], [sflag:$0x3], $0x80, $0x38;
	[tilespmem:$0x1C100] =	vst v63  }
0x96: {  	s17 =	smov.u32 s15;
	s14 =	smov.u32 s16;
	p1 =	sne.s32 s15, $0x1BF0  }
.Ltmp10:
0x97: {  	s15 =	sadd.s32 $0x10, s15;
	(pc) =	sbr.rel @p1 .LBB2_22-.Ltmp10, $2  }
0x98: {  	_ =	sdelay $0x2  }
0x99: {  	s16 =	sadd.s32 $0x100, s16;
	s17 =	sadd.s32 s17, s22  }
0x9a: {  	[hbm4b:s17+s1] =	stream.linear.scatter [tilespmem:s14], [sflag:$0x3], $0x80, $0x38;
	[tilespmem:$0x1C100] =	vst v63  }
0x9b: {  	s26 =	simm.s32 $0x3  }
0x9c: {  	s14 =	simm.s32 $0x0;
	_ =	swait.ge [sflag:s26], $0xE000  }
0x9d: {  	s15 =	simm.s32 $0x10;
	[sflag:s26] =	ssyncset.done $0x0;
	s22 =	rddreg [dreg:$0xe]  }
0x9e: {  	s16 =	simm.s32 $0x100;
	[sflag:s26] =	ssyncadd.s32 $0xFFFF2000;
	s17 =	sadd.s32 $0x0, s22  }
.LBB2_24:
0x9f: {  	[tilespmem:s14], [sflag:$0x1] =	stream.linear.gather [hbm4b:s17+s1], $0x80, $0x38;
	[tilespmem:$0x1C100] =	vst v63  }
0xa0: {  	s17 =	smov.u32 s15;
	s14 =	smov.u32 s16;
	p1 =	sne.s32 s15, $0x1BF0  }
.Ltmp11:
0xa1: {  	s15 =	sadd.s32 $0x10, s15;
	(pc) =	sbr.rel @p1 .LBB2_24-.Ltmp11, $2  }
0xa2: {  	_ =	sdelay $0x2  }
0xa3: {  	s16 =	sadd.s32 $0x100, s16;
	s17 =	sadd.s32 s17, s22  }
0xa4: {  	[tilespmem:s14], [sflag:$0x1] =	stream.linear.gather [hbm4b:s17+s1], $0x80, $0x38;
	[tilespmem:$0x1C100] =	vst v63  }
0xa5: {  	s26 =	simm.s32 $0x2  }
0xa6: {  	s14 =	simm.s32 $0x80;
	_ =	swait.ge [sflag:s26], $0xE000  }
0xa7: {  	s15 =	simm.s32 $0x10;
	[sflag:s26] =	ssyncset.done $0x0;
	s23 =	rddreg [dreg:$0xf]  }
0xa8: {  	s16 =	simm.s32 $0x180;
	[sflag:s26] =	ssyncadd.s32 $0xFFFF2000;
	s17 =	sadd.s32 $0x0, s23  }
.LBB2_26:
0xa9: {  	[hbm4b:s17+s1] =	stream.linear.scatter [tilespmem:s14], [sflag:$0x4], $0x80, $0x38;
	[tilespmem:$0x1C100] =	vst v63  }
0xaa: {  	s17 =	smov.u32 s15;
	s14 =	smov.u32 s16;
	p1 =	sne.s32 s15, $0x1BF0  }
.Ltmp12:
0xab: {  	s15 =	sadd.s32 $0x10, s15;
	(pc) =	sbr.rel @p1 .LBB2_26-.Ltmp12, $2  }
0xac: {  	_ =	sdelay $0x2  }
0xad: {  	s16 =	sadd.s32 $0x100, s16;
	s17 =	sadd.s32 s17, s23  }
0xae: {  	[hbm4b:s17+s1] =	stream.linear.scatter [tilespmem:s14], [sflag:$0x4], $0x80, $0x38;
	[tilespmem:$0x1C100] =	vst v63  }
0xaf: {  	s26 =	simm.s32 $0x4  }
0xb0: {  	s14 =	simm.s32 $0x80;
	_ =	swait.ge [sflag:s26], $0xE000  }
0xb1: {  	s15 =	simm.s32 $0x10;
	[sflag:s26] =	ssyncset.done $0x0;
	s23 =	rddreg [dreg:$0x10]  }
0xb2: {  	s16 =	simm.s32 $0x180;
	[sflag:s26] =	ssyncadd.s32 $0xFFFF2000;
	s17 =	sadd.s32 $0x0, s23  }
.LBB2_28:
0xb3: {  	[tilespmem:s14], [sflag:$0x2] =	stream.linear.gather [hbm4b:s17+s1], $0x80, $0x38;
	[tilespmem:$0x1C100] =	vst v63  }
0xb4: {  	s17 =	smov.u32 s15;
	s14 =	smov.u32 s16;
	p1 =	sne.s32 s15, $0x1BF0  }
.Ltmp13:
0xb5: {  	s15 =	sadd.s32 $0x10, s15;
	(pc) =	sbr.rel @p1 .LBB2_28-.Ltmp13, $2  }
0xb6: {  	_ =	sdelay $0x2  }
0xb7: {  	s16 =	sadd.s32 $0x100, s16;
	s17 =	sadd.s32 s17, s23  }
0xb8: {  	[tilespmem:s14], [sflag:$0x2] =	stream.linear.gather [hbm4b:s17+s1], $0x80, $0x38;
	[tilespmem:$0x1C100] =	vst v63  }
0xb9: {  	s26 =	simm.s32 $0x1  }
0xba: {  	s14 =	simm.s32 $0x0;
	_ =	swait.ge [sflag:s26], $0xE000  }
0xbb: {  	s15 =	simm.s32 $0x10;
	[sflag:s26] =	ssyncset.done $0x0;
	s24 =	rddreg [dreg:$0x11]  }
0xbc: {  	s16 =	simm.s32 $0x100;
	[sflag:s26] =	ssyncadd.s32 $0xFFFF2000;
	s17 =	sadd.s32 $0x0, s24  }
.LBB2_30:
0xbd: {  	[hbm4b:s17+s1] =	stream.linear.scatter [tilespmem:s14], [sflag:$0x3], $0x80, $0x38;
	[tilespmem:$0x1C100] =	vst v63  }
0xbe: {  	s17 =	smov.u32 s15;
	s14 =	smov.u32 s16;
	p1 =	sne.s32 s15, $0x1BF0  }
.Ltmp14:
0xbf: {  	s15 =	sadd.s32 $0x10, s15;
	(pc) =	sbr.rel @p1 .LBB2_30-.Ltmp14, $2  }
0xc0: {  	_ =	sdelay $0x2  }
0xc1: {  	s16 =	sadd.s32 $0x100, s16;
	s17 =	sadd.s32 s17, s24  }
0xc2: {  	[hbm4b:s17+s1] =	stream.linear.scatter [tilespmem:s14], [sflag:$0x3], $0x80, $0x38;
	[tilespmem:$0x1C100] =	vst v63  }
0xc3: {  	s26 =	simm.s32 $0x3  }
0xc4: {  	s14 =	simm.s32 $0x0;
	_ =	swait.ge [sflag:s26], $0xE000  }
0xc5: {  	s15 =	simm.s32 $0x10;
	[sflag:s26] =	ssyncset.done $0x0;
	s24 =	rddreg [dreg:$0x12]  }
0xc6: {  	s16 =	simm.s32 $0x100;
	[sflag:s26] =	ssyncadd.s32 $0xFFFF2000;
	s17 =	sadd.s32 $0x0, s24  }
.LBB2_32:
0xc7: {  	[tilespmem:s14], [sflag:$0x1] =	stream.linear.gather [hbm4b:s17+s1], $0x80, $0x38;
	[tilespmem:$0x1C100] =	vst v63  }
0xc8: {  	s17 =	smov.u32 s15;
	s14 =	smov.u32 s16;
	p1 =	sne.s32 s15, $0x1BF0  }
.Ltmp15:
0xc9: {  	s15 =	sadd.s32 $0x10, s15;
	(pc) =	sbr.rel @p1 .LBB2_32-.Ltmp15, $2  }
0xca: {  	_ =	sdelay $0x2  }
0xcb: {  	s16 =	sadd.s32 $0x100, s16;
	s17 =	sadd.s32 s17, s24  }
0xcc: {  	[tilespmem:s14], [sflag:$0x1] =	stream.linear.gather [hbm4b:s17+s1], $0x80, $0x38;
	[tilespmem:$0x1C100] =	vst v63  }
0xcd: {  	s26 =	simm.s32 $0x2  }
0xce: {  	s14 =	simm.s32 $0x80;
	_ =	swait.ge [sflag:s26], $0xE000  }
0xcf: {  	s15 =	simm.s32 $0x10;
	[sflag:s26] =	ssyncset.done $0x0;
	s25 =	rddreg [dreg:$0x13]  }
0xd0: {  	s16 =	simm.s32 $0x180;
	[sflag:s26] =	ssyncadd.s32 $0xFFFF2000;
	s17 =	sadd.s32 $0x0, s25  }
.LBB2_34:
0xd1: {  	[hbm4b:s17+s1] =	stream.linear.scatter [tilespmem:s14], [sflag:$0x4], $0x80, $0x38;
	[tilespmem:$0x1C100] =	vst v63  }
0xd2: {  	s17 =	smov.u32 s15;
	s14 =	smov.u32 s16;
	p1 =	sne.s32 s15, $0x1BF0  }
.Ltmp16:
0xd3: {  	s15 =	sadd.s32 $0x10, s15;
	(pc) =	sbr.rel @p1 .LBB2_34-.Ltmp16, $2  }
0xd4: {  	_ =	sdelay $0x2  }
0xd5: {  	s16 =	sadd.s32 $0x100, s16;
	s17 =	sadd.s32 s17, s25  }
0xd6: {  	[hbm4b:s17+s1] =	stream.linear.scatter [tilespmem:s14], [sflag:$0x4], $0x80, $0x38;
	[tilespmem:$0x1C100] =	vst v63  }
0xd7: {  	s26 =	simm.s32 $0x4  }
0xd8: {  	s14 =	simm.s32 $0x80;
	_ =	swait.ge [sflag:s26], $0xE000  }
0xd9: {  	s15 =	simm.s32 $0x10;
	[sflag:s26] =	ssyncset.done $0x0;
	s25 =	rddreg [dreg:$0x14]  }
0xda: {  	s16 =	simm.s32 $0x180;
	[sflag:s26] =	ssyncadd.s32 $0xFFFF2000;
	s17 =	sadd.s32 $0x0, s25  }
.LBB2_36:
0xdb: {  	[tilespmem:s14], [sflag:$0x2] =	stream.linear.gather [hbm4b:s17+s1], $0x80, $0x38;
	[tilespmem:$0x1C100] =	vst v63  }
0xdc: {  	s17 =	smov.u32 s15;
	s14 =	smov.u32 s16;
	p1 =	sne.s32 s15, $0x1BF0  }
.Ltmp17:
0xdd: {  	s15 =	sadd.s32 $0x10, s15;
	(pc) =	sbr.rel @p1 .LBB2_36-.Ltmp17, $2  }
0xde: {  	_ =	sdelay $0x2  }
0xdf: {  	s16 =	sadd.s32 $0x100, s16;
	s17 =	sadd.s32 s17, s25  }
0xe0: {  	[tilespmem:s14], [sflag:$0x2] =	stream.linear.gather [hbm4b:s17+s1], $0x80, $0x38;
	[tilespmem:$0x1C100] =	vst v63  }
0xe1: {  	s26 =	simm.s32 $0x1  }
0xe2: {  	_ =	swait.ge [sflag:s26], $0xE000  }
0xe3: {  	[sflag:s26] =	ssyncset.done $0x0  }
0xe4: {  	s14 =	simm.s32 $0x0;
	[sflag:s26] =	ssyncadd.s32 $0xFFFF2000;
	s26 =	rddreg [dreg:$0x15]  }
0xe5: {  	s15 =	simm.s32 $0x10;
	s16 =	simm.s32 $0x100;
	s17 =	sadd.s32 $0x0, s26  }
.LBB2_38:
0xe6: {  	[hbm4b:s17+s1] =	stream.linear.scatter [tilespmem:s14], [sflag:$0x3], $0x80, $0x38;
	[tilespmem:$0x1C100] =	vst v63  }
0xe7: {  	s17 =	smov.u32 s15;
	s14 =	smov.u32 s16;
	p1 =	sne.s32 s15, $0x1BF0  }
.Ltmp18:
0xe8: {  	s15 =	sadd.s32 $0x10, s15;
	(pc) =	sbr.rel @p1 .LBB2_38-.Ltmp18, $2  }
0xe9: {  	_ =	sdelay $0x2  }
0xea: {  	s16 =	sadd.s32 $0x100, s16;
	s17 =	sadd.s32 s17, s26  }
0xeb: {  	[hbm4b:s17+s1] =	stream.linear.scatter [tilespmem:s14], [sflag:$0x3], $0x80, $0x38;
	[tilespmem:$0x1C100] =	vst v63  }
0xec: {  	s26 =	simm.s32 $0x3  }
0xed: {  	_ =	swait.ge [sflag:s26], $0xE000  }
0xee: {  	[sflag:s26] =	ssyncset.done $0x0  }
0xef: {  	s14 =	simm.s32 $0x0;
	[sflag:s26] =	ssyncadd.s32 $0xFFFF2000;
	s26 =	rddreg [dreg:$0x17]  }
0xf0: {  	s15 =	simm.s32 $0x10;
	s16 =	simm.s32 $0x100;
	s17 =	sadd.s32 $0x0, s26  }
.LBB2_40:
0xf1: {  	[tilespmem:s14], [sflag:$0x1] =	stream.linear.gather [hbm4b:s17+s1], $0x80, $0x38;
	[tilespmem:$0x1C100] =	vst v63  }
0xf2: {  	s17 =	smov.u32 s15;
	s14 =	smov.u32 s16;
	p1 =	sne.s32 s15, $0x1BF0  }
.Ltmp19:
0xf3: {  	s15 =	sadd.s32 $0x10, s15;
	(pc) =	sbr.rel @p1 .LBB2_40-.Ltmp19, $2  }
0xf4: {  	_ =	sdelay $0x2  }
0xf5: {  	s16 =	sadd.s32 $0x100, s16;
	s17 =	sadd.s32 s17, s26  }
0xf6: {  	[tilespmem:s14], [sflag:$0x1] =	stream.linear.gather [hbm4b:s17+s1], $0x80, $0x38;
	[tilespmem:$0x1C100] =	vst v63  }
0xf7: {  	s26 =	simm.s32 $0x2  }
0xf8: {  	_ =	swait.ge [sflag:s26], $0xE000  }
0xf9: {  	[sflag:s26] =	ssyncset.done $0x0  }
0xfa: {  	s14 =	simm.s32 $0x80;
	[sflag:s26] =	ssyncadd.s32 $0xFFFF2000;
	s26 =	rddreg [dreg:$0x16]  }
0xfb: {  	s15 =	simm.s32 $0x10;
	s16 =	simm.s32 $0x180;
	s17 =	sadd.s32 $0x0, s26  }
.LBB2_42:
0xfc: {  	[hbm4b:s17+s1] =	stream.linear.scatter [tilespmem:s14], [sflag:$0x4], $0x80, $0x38;
	[tilespmem:$0x1C100] =	vst v63  }
0xfd: {  	s17 =	smov.u32 s15;
	s14 =	smov.u32 s16;
	p1 =	sne.s32 s15, $0x1BF0  }
.Ltmp20:
0xfe: {  	s15 =	sadd.s32 $0x10, s15;
	(pc) =	sbr.rel @p1 .LBB2_42-.Ltmp20, $2  }
0xff: {  	_ =	sdelay $0x2  }
0x100: {  	s16 =	sadd.s32 $0x100, s16;
	s17 =	sadd.s32 s17, s26  }
0x101: {  	[hbm4b:s17+s1] =	stream.linear.scatter [tilespmem:s14], [sflag:$0x4], $0x80, $0x38;
	[tilespmem:$0x1C100] =	vst v63  }
0x102: {  	s26 =	simm.s32 $0x4  }
0x103: {  	_ =	swait.ge [sflag:s26], $0xE000  }
0x104: {  	s14 =	simm.s32 $0x80;
	s15 =	simm.s32 $0x10;
	[sflag:s26] =	ssyncset.done $0x0  }
0x105: {  	s17 =	sadd.s32 $0x0, s28;
	s16 =	simm.s32 $0x180;
	[sflag:s26] =	ssyncadd.s32 $0xFFFF2000  }
.LBB2_44:
0x106: {  	[tilespmem:s14], [sflag:$0x2] =	stream.linear.gather [hbm4b:s17+s1], $0x80, $0x38;
	[tilespmem:$0x1C100] =	vst v63  }
0x107: {  	s17 =	smov.u32 s15;
	s14 =	smov.u32 s16;
	p1 =	sne.s32 s15, $0x1BF0  }
.Ltmp21:
0x108: {  	s15 =	sadd.s32 $0x10, s15;
	(pc) =	sbr.rel @p1 .LBB2_44-.Ltmp21, $2  }
0x109: {  	_ =	sdelay $0x2  }
0x10a: {  	s16 =	sadd.s32 $0x100, s16;
	s17 =	sadd.s32 s17, s28  }
0x10b: {  	[tilespmem:s14], [sflag:$0x2] =	stream.linear.gather [hbm4b:s17+s1], $0x80, $0x38;
	[tilespmem:$0x1C100] =	vst v63  }
0x10c: {  	s26 =	simm.s32 $0x1  }
0x10d: {  	s14 =	simm.s32 $0x0;
	_ =	swait.ge [sflag:s26], $0xE000  }
0x10e: {  	s15 =	simm.s32 $0x10;
	[sflag:s26] =	ssyncset.done $0x0;
	s28 =	rddreg [dreg:$0x18]  }
0x10f: {  	s16 =	simm.s32 $0x100;
	[sflag:s26] =	ssyncadd.s32 $0xFFFF2000;
	s17 =	sadd.s32 $0x0, s28  }
.LBB2_46:
0x110: {  	[hbm4b:s17+s1] =	stream.linear.scatter [tilespmem:s14], [sflag:$0x3], $0x80, $0x38;
	[tilespmem:$0x1C100] =	vst v63  }
0x111: {  	s17 =	smov.u32 s15;
	s14 =	smov.u32 s16;
	p1 =	sne.s32 s15, $0x1BF0  }
.Ltmp22:
0x112: {  	s15 =	sadd.s32 $0x10, s15;
	(pc) =	sbr.rel @p1 .LBB2_46-.Ltmp22, $2  }
0x113: {  	_ =	sdelay $0x2  }
0x114: {  	s16 =	sadd.s32 $0x100, s16;
	s17 =	sadd.s32 s17, s28  }
0x115: {  	[hbm4b:s17+s1] =	stream.linear.scatter [tilespmem:s14], [sflag:$0x3], $0x80, $0x38;
	[tilespmem:$0x1C100] =	vst v63  }
0x116: {  	s28 =	simm.s32 $0x3  }
0x117: {  	_ =	swait.ge [sflag:s28], $0xE000  }
0x118: {  	s14 =	simm.s32 $0x0;
	s15 =	simm.s32 $0x10;
	[sflag:s28] =	ssyncset.done $0x0  }
0x119: {  	s17 =	sadd.s32 $0x0, s29;
	s16 =	simm.s32 $0x100;
	[sflag:s28] =	ssyncadd.s32 $0xFFFF2000  }
.LBB2_48:
0x11a: {  	[tilespmem:s14], [sflag:$0x1] =	stream.linear.gather [hbm4b:s17+s1], $0x80, $0x38;
	[tilespmem:$0x1C100] =	vst v63  }
0x11b: {  	s17 =	smov.u32 s15;
	s14 =	smov.u32 s16;
	p1 =	sne.s32 s15, $0x1BF0  }
.Ltmp23:
0x11c: {  	s15 =	sadd.s32 $0x10, s15;
	(pc) =	sbr.rel @p1 .LBB2_48-.Ltmp23, $2  }
0x11d: {  	_ =	sdelay $0x2  }
0x11e: {  	s16 =	sadd.s32 $0x100, s16;
	s17 =	sadd.s32 s17, s29  }
0x11f: {  	[tilespmem:s14], [sflag:$0x1] =	stream.linear.gather [hbm4b:s17+s1], $0x80, $0x38;
	[tilespmem:$0x1C100] =	vst v63  }
0x120: {  	s26 =	simm.s32 $0x2  }
0x121: {  	s14 =	simm.s32 $0x80;
	s15 =	simm.s32 $0x10;
	_ =	swait.ge [sflag:s26], $0xE000  }
0x122: {  	s16 =	simm.s32 $0x180;
	[sflag:s26] =	ssyncset.done $0x0;
	s29 =	rddreg [dreg:$0x1a]  }
0x123: {  	s28 =	rddreg [dreg:$0x19];
	[sflag:s26] =	ssyncadd.s32 $0xFFFF2000;
	s17 =	sadd.s32 $0x0, s29  }
.LBB2_50:
0x124: {  	[hbm4b:s17+s1] =	stream.linear.scatter [tilespmem:s14], [sflag:$0x4], $0x80, $0x38;
	[tilespmem:$0x1C100] =	vst v63  }
0x125: {  	s17 =	smov.u32 s15;
	s14 =	smov.u32 s16;
	p1 =	sne.s32 s15, $0x1BF0  }
.Ltmp24:
0x126: {  	s15 =	sadd.s32 $0x10, s15;
	(pc) =	sbr.rel @p1 .LBB2_50-.Ltmp24, $2  }
0x127: {  	_ =	sdelay $0x2  }
0x128: {  	s16 =	sadd.s32 $0x100, s16;
	s17 =	sadd.s32 s17, s29  }
0x129: {  	[hbm4b:s17+s1] =	stream.linear.scatter [tilespmem:s14], [sflag:$0x4], $0x80, $0x38;
	[tilespmem:$0x1C100] =	vst v63  }
0x12a: {  	s29 =	simm.s32 $0x4  }
0x12b: {  	_ =	swait.ge [sflag:s29], $0xE000  }
0x12c: {  	s14 =	simm.s32 $0x80;
	s15 =	simm.s32 $0x10;
	[sflag:s29] =	ssyncset.done $0x0  }
0x12d: {  	s17 =	sadd.s32 $0x0, s30;
	s16 =	simm.s32 $0x180;
	[sflag:s29] =	ssyncadd.s32 $0xFFFF2000  }
.LBB2_52:
0x12e: {  	[tilespmem:s14], [sflag:$0x2] =	stream.linear.gather [hbm4b:s17+s1], $0x80, $0x38;
	[tilespmem:$0x1C100] =	vst v63  }
0x12f: {  	s17 =	smov.u32 s15;
	s14 =	smov.u32 s16;
	p1 =	sne.s32 s15, $0x1BF0  }
.Ltmp25:
0x130: {  	s15 =	sadd.s32 $0x10, s15;
	(pc) =	sbr.rel @p1 .LBB2_52-.Ltmp25, $2  }
0x131: {  	_ =	sdelay $0x2  }
0x132: {  	s16 =	sadd.s32 $0x100, s16;
	s17 =	sadd.s32 s17, s30  }
0x133: {  	[tilespmem:s14], [sflag:$0x2] =	stream.linear.gather [hbm4b:s17+s1], $0x80, $0x38;
	[tilespmem:$0x1C100] =	vst v63  }
0x134: {  	s26 =	simm.s32 $0x1  }
0x135: {  	s14 =	simm.s32 $0x0;
	s15 =	simm.s32 $0x10;
	_ =	swait.ge [sflag:s26], $0xE000  }
0x136: {  	s16 =	simm.s32 $0x100;
	[sflag:s26] =	ssyncset.done $0x0;
	s30 =	rddreg [dreg:$0x1c]  }
0x137: {  	s29 =	rddreg [dreg:$0x1b];
	[sflag:s26] =	ssyncadd.s32 $0xFFFF2000;
	s17 =	sadd.s32 $0x0, s30  }
.LBB2_54:
0x138: {  	[hbm4b:s17+s1] =	stream.linear.scatter [tilespmem:s14], [sflag:$0x3], $0x80, $0x38;
	[tilespmem:$0x1C100] =	vst v63  }
0x139: {  	s17 =	smov.u32 s15;
	s14 =	smov.u32 s16;
	p1 =	sne.s32 s15, $0x1BF0  }
.Ltmp26:
0x13a: {  	s15 =	sadd.s32 $0x10, s15;
	(pc) =	sbr.rel @p1 .LBB2_54-.Ltmp26, $2  }
0x13b: {  	_ =	sdelay $0x2  }
0x13c: {  	s16 =	sadd.s32 $0x100, s16;
	s17 =	sadd.s32 s17, s30  }
0x13d: {  	[hbm4b:s17+s1] =	stream.linear.scatter [tilespmem:s14], [sflag:$0x3], $0x80, $0x38;
	[tilespmem:$0x1C100] =	vst v63  }
0x13e: {  	s30 =	simm.s32 $0x3  }
0x13f: {  	_ =	swait.ge [sflag:s30], $0xE000  }
0x140: {  	s14 =	simm.s32 $0x0;
	s15 =	simm.s32 $0x10;
	[sflag:s30] =	ssyncset.done $0x0  }
0x141: {  	s17 =	sadd.s32 $0x0, s31;
	s16 =	simm.s32 $0x100;
	[sflag:s30] =	ssyncadd.s32 $0xFFFF2000  }
.LBB2_56:
0x142: {  	[tilespmem:s14], [sflag:$0x1] =	stream.linear.gather [hbm4b:s17+s1], $0x80, $0x38;
	[tilespmem:$0x1C100] =	vst v63  }
0x143: {  	s17 =	smov.u32 s15;
	s14 =	smov.u32 s16;
	p1 =	sne.s32 s15, $0x1BF0  }
.Ltmp27:
0x144: {  	s15 =	sadd.s32 $0x10, s15;
	(pc) =	sbr.rel @p1 .LBB2_56-.Ltmp27, $2  }
0x145: {  	_ =	sdelay $0x2  }
0x146: {  	s16 =	sadd.s32 $0x100, s16;
	s17 =	sadd.s32 s17, s31  }
0x147: {  	[tilespmem:s14], [sflag:$0x1] =	stream.linear.gather [hbm4b:s17+s1], $0x80, $0x38;
	[tilespmem:$0x1C100] =	vst v63  }
0x148: {  	s26 =	simm.s32 $0x2  }
0x149: {  	s14 =	simm.s32 $0x80;
	s15 =	simm.s32 $0x10;
	_ =	swait.ge [sflag:s26], $0xE000  }
0x14a: {  	s16 =	simm.s32 $0x180;
	[sflag:s26] =	ssyncset.done $0x0;
	s31 =	rddreg [dreg:$0x1e]  }
0x14b: {  	s30 =	rddreg [dreg:$0x1d];
	[sflag:s26] =	ssyncadd.s32 $0xFFFF2000;
	s17 =	sadd.s32 $0x0, s31  }
.LBB2_58:
0x14c: {  	[hbm4b:s17+s1] =	stream.linear.scatter [tilespmem:s14], [sflag:$0x4], $0x80, $0x38;
	[tilespmem:$0x1C100] =	vst v63  }
0x14d: {  	s17 =	smov.u32 s15;
	s14 =	smov.u32 s16;
	p1 =	sne.s32 s15, $0x1BF0  }
.Ltmp28:
0x14e: {  	s15 =	sadd.s32 $0x10, s15;
	(pc) =	sbr.rel @p1 .LBB2_58-.Ltmp28, $2  }
0x14f: {  	_ =	sdelay $0x2  }
0x150: {  	s16 =	sadd.s32 $0x100, s16;
	s17 =	sadd.s32 s17, s31  }
0x151: {  	[hbm4b:s17+s1] =	stream.linear.scatter [tilespmem:s14], [sflag:$0x4], $0x80, $0x38;
	[tilespmem:$0x1C100] =	vst v63  }
0x152: {  	s31 =	simm.s32 $0x4  }
0x153: {  	_ =	swait.ge [sflag:s31], $0xE000  }
0x154: {  	s14 =	simm.s32 $0x80;
	s15 =	simm.s32 $0x10;
	[sflag:s31] =	ssyncset.done $0x0  }
0x155: {  	s17 =	sadd.s32 $0x0, s0;
	s16 =	simm.s32 $0x180;
	[sflag:s31] =	ssyncadd.s32 $0xFFFF2000  }
.LBB2_60:
0x156: {  	[tilespmem:s14], [sflag:$0x2] =	stream.linear.gather [hbm4b:s17+s1], $0x80, $0x38;
	[tilespmem:$0x1C100] =	vst v63  }
0x157: {  	s17 =	smov.u32 s15;
	s14 =	smov.u32 s16;
	p1 =	sne.s32 s15, $0x1BF0  }
.Ltmp29:
0x158: {  	s15 =	sadd.s32 $0x10, s15;
	(pc) =	sbr.rel @p1 .LBB2_60-.Ltmp29, $2  }
0x159: {  	_ =	sdelay $0x2  }
0x15a: {  	s16 =	sadd.s32 $0x100, s16;
	s17 =	sadd.s32 s17, s0  }
0x15b: {  	[tilespmem:s14], [sflag:$0x2] =	stream.linear.gather [hbm4b:s17+s1], $0x80, $0x38;
	[tilespmem:$0x1C100] =	vst v63  }
0x15c: {  	s0 =	simm.s32 $0x1  }
0x15d: {  	_ =	swait.ge [sflag:s0], $0xE000  }
0x15e: {  	[sflag:s0] =	ssyncset.done $0x0  }
0x15f: {  	[sflag:s0] =	ssyncadd.s32 $0xFFFF2000;
	s0 =	sld [smem:$0x7FA];
	_ =	sdelay $0x1  }
0x160: {  	s14 =	simm.s32 $0x0;
	s15 =	simm.s32 $0x10  }
0x161: {  	s16 =	simm.s32 $0x100;
	s31 =	rddreg [dreg:$0x1f];
	s17 =	sadd.s32 $0x0, s0  }
.LBB2_62:
0x162: {  	[hbm4b:s17+s1] =	stream.linear.scatter [tilespmem:s14], [sflag:$0x3], $0x80, $0x38;
	[tilespmem:$0x1C100] =	vst v63  }
0x163: {  	s17 =	smov.u32 s15;
	s14 =	smov.u32 s16;
	p1 =	sne.s32 s15, $0x1BF0  }
.Ltmp30:
0x164: {  	s15 =	sadd.s32 $0x10, s15;
	(pc) =	sbr.rel @p1 .LBB2_62-.Ltmp30, $2  }
0x165: {  	_ =	sdelay $0x2  }
0x166: {  	s16 =	sadd.s32 $0x100, s16;
	s17 =	sadd.s32 s17, s0  }
0x167: {  	[hbm4b:s17+s1] =	stream.linear.scatter [tilespmem:s14], [sflag:$0x3], $0x80, $0x38;
	[tilespmem:$0x1C100] =	vst v63  }
0x168: {  	s0 =	simm.s32 $0x3  }
0x169: {  	_ =	swait.ge [sflag:s0], $0xE000  }
0x16a: {  	s14 =	simm.s32 $0x0;
	s15 =	simm.s32 $0x10;
	[sflag:s0] =	ssyncset.done $0x0  }
0x16b: {  	s17 =	sadd.s32 $0x0, s2;
	s16 =	simm.s32 $0x100;
	[sflag:s0] =	ssyncadd.s32 $0xFFFF2000  }
.LBB2_64:
0x16c: {  	[tilespmem:s14], [sflag:$0x1] =	stream.linear.gather [hbm4b:s17+s1], $0x80, $0x38;
	[tilespmem:$0x1C100] =	vst v63  }
0x16d: {  	s17 =	smov.u32 s15;
	s14 =	smov.u32 s16;
	p1 =	sne.s32 s15, $0x1BF0  }
.Ltmp31:
0x16e: {  	s15 =	sadd.s32 $0x10, s15;
	(pc) =	sbr.rel @p1 .LBB2_64-.Ltmp31, $2  }
0x16f: {  	_ =	sdelay $0x2  }
0x170: {  	s16 =	sadd.s32 $0x100, s16;
	s17 =	sadd.s32 s17, s2  }
0x171: {  	[tilespmem:s14], [sflag:$0x1] =	stream.linear.gather [hbm4b:s17+s1], $0x80, $0x38;
	[tilespmem:$0x1C100] =	vst v63  }
0x172: {  	s0 =	simm.s32 $0x2  }
0x173: {  	_ =	swait.ge [sflag:s0], $0xE000  }
0x174: {  	[sflag:s0] =	ssyncset.done $0x0  }
0x175: {  	[sflag:s0] =	ssyncadd.s32 $0xFFFF2000;
	s0 =	sld [smem:$0x7FD];
	_ =	sdelay $0x1  }
0x176: {  	s14 =	simm.s32 $0x80  }
0x177: {  	s15 =	simm.s32 $0x10;
	s16 =	simm.s32 $0x180;
	s17 =	sadd.s32 $0x0, s0  }
.LBB2_66:
0x178: {  	[hbm4b:s17+s1] =	stream.linear.scatter [tilespmem:s14], [sflag:$0x4], $0x80, $0x38;
	[tilespmem:$0x1C100] =	vst v63  }
0x179: {  	s17 =	smov.u32 s15;
	s14 =	smov.u32 s16;
	p1 =	sne.s32 s15, $0x1BF0  }
.Ltmp32:
0x17a: {  	s15 =	sadd.s32 $0x10, s15;
	(pc) =	sbr.rel @p1 .LBB2_66-.Ltmp32, $2  }
0x17b: {  	_ =	sdelay $0x2  }
0x17c: {  	s16 =	sadd.s32 $0x100, s16;
	s17 =	sadd.s32 s17, s0  }
0x17d: {  	[hbm4b:s17+s1] =	stream.linear.scatter [tilespmem:s14], [sflag:$0x4], $0x80, $0x38;
	[tilespmem:$0x1C100] =	vst v63  }
0x17e: {  	s26 =	simm.s32 $0x4  }
0x17f: {  	_ =	swait.ge [sflag:s26], $0xE000  }
0x180: {  	s14 =	simm.s32 $0x80;
	s15 =	simm.s32 $0x10;
	[sflag:s26] =	ssyncset.done $0x0  }
0x181: {  	s17 =	sadd.s32 $0x0, s4;
	s16 =	simm.s32 $0x180;
	[sflag:s26] =	ssyncadd.s32 $0xFFFF2000  }
.LBB2_68:
0x182: {  	[tilespmem:s14], [sflag:$0x2] =	stream.linear.gather [hbm4b:s17+s1], $0x80, $0x38;
	[tilespmem:$0x1C100] =	vst v63  }
0x183: {  	s17 =	smov.u32 s15;
	s14 =	smov.u32 s16;
	p1 =	sne.s32 s15, $0x1BF0  }
.Ltmp33:
0x184: {  	s15 =	sadd.s32 $0x10, s15;
	(pc) =	sbr.rel @p1 .LBB2_68-.Ltmp33, $2  }
0x185: {  	_ =	sdelay $0x2  }
0x186: {  	s16 =	sadd.s32 $0x100, s16;
	s17 =	sadd.s32 s17, s4  }
0x187: {  	[tilespmem:s14], [sflag:$0x2] =	stream.linear.gather [hbm4b:s17+s1], $0x80, $0x38;
	[tilespmem:$0x1C100] =	vst v63  }
0x188: {  	s26 =	simm.s32 $0x1  }
0x189: {  	_ =	swait.ge [sflag:s26], $0xE000  }
0x18a: {  	s14 =	simm.s32 $0x0;
	s15 =	simm.s32 $0x10;
	[sflag:s26] =	ssyncset.done $0x0  }
0x18b: {  	s17 =	sadd.s32 $0x0, s3;
	s16 =	simm.s32 $0x100;
	[sflag:s26] =	ssyncadd.s32 $0xFFFF2000  }
.LBB2_70:
0x18c: {  	[hbm4b:s17+s1] =	stream.linear.scatter [tilespmem:s14], [sflag:$0x3], $0x80, $0x38;
	[tilespmem:$0x1C100] =	vst v63  }
0x18d: {  	s17 =	smov.u32 s15;
	s14 =	smov.u32 s16;
	p1 =	sne.s32 s15, $0x1BF0  }
.Ltmp34:
0x18e: {  	s15 =	sadd.s32 $0x10, s15;
	(pc) =	sbr.rel @p1 .LBB2_70-.Ltmp34, $2  }
0x18f: {  	_ =	sdelay $0x2  }
0x190: {  	s16 =	sadd.s32 $0x100, s16;
	s17 =	sadd.s32 s17, s3  }
0x191: {  	[hbm4b:s17+s1] =	stream.linear.scatter [tilespmem:s14], [sflag:$0x3], $0x80, $0x38;
	[tilespmem:$0x1C100] =	vst v63  }
0x192: {  	s26 =	simm.s32 $0x3  }
0x193: {  	_ =	swait.ge [sflag:s26], $0xE000  }
0x194: {  	s14 =	simm.s32 $0x0;
	s15 =	simm.s32 $0x10;
	[sflag:s26] =	ssyncset.done $0x0  }
0x195: {  	s17 =	sadd.s32 $0x0, s6;
	s16 =	simm.s32 $0x100;
	[sflag:s26] =	ssyncadd.s32 $0xFFFF2000  }
.LBB2_72:
0x196: {  	[tilespmem:s14], [sflag:$0x1] =	stream.linear.gather [hbm4b:s17+s1], $0x80, $0x38;
	[tilespmem:$0x1C100] =	vst v63  }
0x197: {  	s17 =	smov.u32 s15;
	s14 =	smov.u32 s16;
	p1 =	sne.s32 s15, $0x1BF0  }
.Ltmp35:
0x198: {  	s15 =	sadd.s32 $0x10, s15;
	(pc) =	sbr.rel @p1 .LBB2_72-.Ltmp35, $2  }
0x199: {  	_ =	sdelay $0x2  }
0x19a: {  	s16 =	sadd.s32 $0x100, s16;
	s17 =	sadd.s32 s17, s6  }
0x19b: {  	[tilespmem:s14], [sflag:$0x1] =	stream.linear.gather [hbm4b:s17+s1], $0x80, $0x38;
	[tilespmem:$0x1C100] =	vst v63  }
0x19c: {  	s26 =	simm.s32 $0x2  }
0x19d: {  	_ =	swait.ge [sflag:s26], $0xE000  }
0x19e: {  	s14 =	simm.s32 $0x80;
	s15 =	simm.s32 $0x10;
	[sflag:s26] =	ssyncset.done $0x0  }
0x19f: {  	s17 =	sadd.s32 $0x0, s5;
	s16 =	simm.s32 $0x180;
	[sflag:s26] =	ssyncadd.s32 $0xFFFF2000  }
.LBB2_74:
0x1a0: {  	[hbm4b:s17+s1] =	stream.linear.scatter [tilespmem:s14], [sflag:$0x4], $0x80, $0x38;
	[tilespmem:$0x1C100] =	vst v63  }
0x1a1: {  	s17 =	smov.u32 s15;
	s14 =	smov.u32 s16;
	p1 =	sne.s32 s15, $0x1BF0  }
.Ltmp36:
0x1a2: {  	s15 =	sadd.s32 $0x10, s15;
	(pc) =	sbr.rel @p1 .LBB2_74-.Ltmp36, $2  }
0x1a3: {  	_ =	sdelay $0x2  }
0x1a4: {  	s16 =	sadd.s32 $0x100, s16;
	s17 =	sadd.s32 s17, s5  }
0x1a5: {  	[hbm4b:s17+s1] =	stream.linear.scatter [tilespmem:s14], [sflag:$0x4], $0x80, $0x38;
	[tilespmem:$0x1C100] =	vst v63  }
0x1a6: {  	s26 =	simm.s32 $0x4  }
0x1a7: {  	_ =	swait.ge [sflag:s26], $0xE000  }
0x1a8: {  	s14 =	simm.s32 $0x80;
	s15 =	simm.s32 $0x10;
	[sflag:s26] =	ssyncset.done $0x0  }
0x1a9: {  	s17 =	sadd.s32 $0x0, s10;
	s16 =	simm.s32 $0x180;
	[sflag:s26] =	ssyncadd.s32 $0xFFFF2000  }
.LBB2_76:
0x1aa: {  	[tilespmem:s14], [sflag:$0x2] =	stream.linear.gather [hbm4b:s17+s1], $0x80, $0x38;
	[tilespmem:$0x1C100] =	vst v63  }
0x1ab: {  	s17 =	smov.u32 s15;
	s14 =	smov.u32 s16;
	p1 =	sne.s32 s15, $0x1BF0  }
.Ltmp37:
0x1ac: {  	s15 =	sadd.s32 $0x10, s15;
	(pc) =	sbr.rel @p1 .LBB2_76-.Ltmp37, $2  }
0x1ad: {  	_ =	sdelay $0x2  }
0x1ae: {  	s16 =	sadd.s32 $0x100, s16;
	s17 =	sadd.s32 s17, s10  }
0x1af: {  	[tilespmem:s14], [sflag:$0x2] =	stream.linear.gather [hbm4b:s17+s1], $0x80, $0x38;
	[tilespmem:$0x1C100] =	vst v63  }
0x1b0: {  	s26 =	simm.s32 $0x1  }
0x1b1: {  	_ =	swait.ge [sflag:s26], $0xE000  }
0x1b2: {  	s14 =	simm.s32 $0x0;
	s15 =	simm.s32 $0x10;
	[sflag:s26] =	ssyncset.done $0x0  }
0x1b3: {  	s17 =	sadd.s32 $0x0, s7;
	s16 =	simm.s32 $0x100;
	[sflag:s26] =	ssyncadd.s32 $0xFFFF2000  }
.LBB2_78:
0x1b4: {  	[hbm4b:s17+s1] =	stream.linear.scatter [tilespmem:s14], [sflag:$0x3], $0x80, $0x38;
	[tilespmem:$0x1C100] =	vst v63  }
0x1b5: {  	s17 =	smov.u32 s15;
	s14 =	smov.u32 s16;
	p1 =	sne.s32 s15, $0x1BF0  }
.Ltmp38:
0x1b6: {  	s15 =	sadd.s32 $0x10, s15;
	(pc) =	sbr.rel @p1 .LBB2_78-.Ltmp38, $2  }
0x1b7: {  	_ =	sdelay $0x2  }
0x1b8: {  	s16 =	sadd.s32 $0x100, s16;
	s17 =	sadd.s32 s17, s7  }
0x1b9: {  	[hbm4b:s17+s1] =	stream.linear.scatter [tilespmem:s14], [sflag:$0x3], $0x80, $0x38;
	[tilespmem:$0x1C100] =	vst v63  }
0x1ba: {  	s26 =	simm.s32 $0x3  }
0x1bb: {  	_ =	swait.ge [sflag:s26], $0xE000  }
0x1bc: {  	s14 =	simm.s32 $0x0;
	s15 =	simm.s32 $0x10;
	[sflag:s26] =	ssyncset.done $0x0  }
0x1bd: {  	s17 =	sadd.s32 $0x0, s11;
	s16 =	simm.s32 $0x100;
	[sflag:s26] =	ssyncadd.s32 $0xFFFF2000  }
.LBB2_80:
0x1be: {  	[tilespmem:s14], [sflag:$0x1] =	stream.linear.gather [hbm4b:s17+s1], $0x80, $0x38;
	[tilespmem:$0x1C100] =	vst v63  }
0x1bf: {  	s17 =	smov.u32 s15;
	s14 =	smov.u32 s16;
	p1 =	sne.s32 s15, $0x1BF0  }
.Ltmp39:
0x1c0: {  	s15 =	sadd.s32 $0x10, s15;
	(pc) =	sbr.rel @p1 .LBB2_80-.Ltmp39, $2  }
0x1c1: {  	_ =	sdelay $0x2  }
0x1c2: {  	s16 =	sadd.s32 $0x100, s16;
	s17 =	sadd.s32 s17, s11  }
0x1c3: {  	[tilespmem:s14], [sflag:$0x1] =	stream.linear.gather [hbm4b:s17+s1], $0x80, $0x38;
	[tilespmem:$0x1C100] =	vst v63  }
0x1c4: {  	s26 =	simm.s32 $0x2  }
0x1c5: {  	_ =	swait.ge [sflag:s26], $0xE000  }
0x1c6: {  	s14 =	simm.s32 $0x80;
	s15 =	simm.s32 $0x10;
	[sflag:s26] =	ssyncset.done $0x0  }
0x1c7: {  	s17 =	sadd.s32 $0x0, s12;
	s16 =	simm.s32 $0x180;
	[sflag:s26] =	ssyncadd.s32 $0xFFFF2000  }
.LBB2_82:
0x1c8: {  	[hbm4b:s17+s1] =	stream.linear.scatter [tilespmem:s14], [sflag:$0x4], $0x80, $0x38;
	[tilespmem:$0x1C100] =	vst v63  }
0x1c9: {  	s17 =	smov.u32 s15;
	s14 =	smov.u32 s16;
	p1 =	sne.s32 s15, $0x1BF0  }
.Ltmp40:
0x1ca: {  	s15 =	sadd.s32 $0x10, s15;
	(pc) =	sbr.rel @p1 .LBB2_82-.Ltmp40, $2  }
0x1cb: {  	_ =	sdelay $0x2  }
0x1cc: {  	s16 =	sadd.s32 $0x100, s16;
	s17 =	sadd.s32 s17, s12  }
0x1cd: {  	[hbm4b:s17+s1] =	stream.linear.scatter [tilespmem:s14], [sflag:$0x4], $0x80, $0x38;
	[tilespmem:$0x1C100] =	vst v63  }
0x1ce: {  	s26 =	simm.s32 $0x1  }
0x1cf: {  	_ =	swait.ge [sflag:s26], $0xE000  }
0x1d0: {  	s14 =	simm.s32 $0x0;
	s15 =	simm.s32 $0x10;
	[sflag:s26] =	ssyncset.done $0x0  }
0x1d1: {  	s17 =	sadd.s32 $0x0, s13;
	s16 =	simm.s32 $0x100;
	[sflag:s26] =	ssyncadd.s32 $0xFFFF2000  }
.LBB2_84:
0x1d2: {  	[hbm4b:s17+s1] =	stream.linear.scatter [tilespmem:s14], [sflag:$0x3], $0x80, $0x38;
	[tilespmem:$0x1C100] =	vst v63  }
0x1d3: {  	s17 =	smov.u32 s15;
	s14 =	smov.u32 s16;
	p1 =	sne.s32 s15, $0x1BF0  }
.Ltmp41:
0x1d4: {  	s15 =	sadd.s32 $0x10, s15;
	(pc) =	sbr.rel @p1 .LBB2_84-.Ltmp41, $2  }
0x1d5: {  	_ =	sdelay $0x2  }
0x1d6: {  	s16 =	sadd.s32 $0x100, s16;
	s17 =	sadd.s32 s17, s13  }
0x1d7: {  	[hbm4b:s17+s1] =	stream.linear.scatter [tilespmem:s14], [sflag:$0x3], $0x80, $0x38;
	[tilespmem:$0x1C100] =	vst v63  }
0x1d8: {  	s25 =	simm.s32 $0x4  }
0x1d9: {  	_ =	swait.ge [sflag:s25], $0xE000  }
0x1da: {  	[sflag:s25] =	ssyncset.done $0x0  }
0x1db: {  	s15 =	simm.s32 $0x3;
	[sflag:s25] =	ssyncadd.s32 $0xFFFF2000  }
0x1dc: {  	_ =	swait.ge [sflag:s15], $0xE000  }
0x1dd: {  	s16 =	sld [smem:$0x7F9]  }
0x1de: {  	s26 =	sld [smem:$0x7FC];
	_ =	sdelay $0x1  }
0x1df: {  	s16 =	sadd.s32 $0x1, s16  }
0x1e0: {  	p1 =	sne.s32 s16, s26  }
.Ltmp42:
0x1e1: {  	_ = 	snop;
	(pc) =	sbr.rel @p1 .LBB2_1-.Ltmp42, $3  }
0x1e2: {  	_ =	sdelay $0x1  }
0x1e3: {  	[sflag:s15] =	ssyncset.done $0x0  }
0x1e4: {  	[sflag:s15] =	ssyncadd.s32 $0xFFFF2000  }
0x1e5: {  	_ =	sfence.sel $0x180000  }
0x1e6: {  	[bflag:$0x0] =	sbarrier.arrive $0xFFFF  }
0x1e7: {  	_ =	strace $0x9000004A  }
0x1e8: {  	s0 =	stileid.u32;
	[bflag:$0x2] =	sbarrier.arrive $0xFFFF  }
0x1e9: {  	p0 =	sne.s32 s0, $0x0;
	s0 =	rddreg [dreg:$0x4]  }
0x1ea: {  	s0 =	sadd.s32 @!p0 $0x100000, s0  }
0x1eb: {  	[sflag:s0] =	ssyncadd.tile.s32 @!p0 $0x1;
	_ =	shalt  }
.Lfunc_end2:
_tile_overlayer_lowered:
.L_overlay_start_2:
0x1ec: {  	(tag) =	ssettag $0x2  }
0x1ed: {  	s0 =	rddreg [dreg:$0x0];
	s2 =	stileid.u32  }
0x1ee: {  	s1 =	rddreg [dreg:$0x1];
	p0 =	sne.s32 s2, $0x0  }
0x1ef: {  	s3 =	rddreg [dreg:$0x2];
	[bflag:$0x3] =	sbarrier.arrive $0xFFFF;
	s2 =	simm.s32 @!p0 $0x1C05  }
0x1f0: {  	[timem:s3], [sflag:s2] =	dma.local @!p0 [hbm:s0], s1  }
0x1f1: {  	s0 =	simm.s32 @!p0 $0x5  }
0x1f2: {  	_ =	swait.ge @!p0 [sflag:s0], s1  }
0x1f3: {  	s1 =	ssub.s32 @!p0 $0x0, s1;
	[sflag:s0] =	ssyncset.done @!p0 $0x0  }
0x1f4: {  	[sflag:s0] =	ssyncadd.s32 @!p0 s1  }
0x1f5: {  	[bflag:$0x3] =	sbarrier.arrive $0xFFFF  }
0x1f6: {  	_ =	shalt  }

// kernel: sparse-core-data-format-call.cloned.1.call-start
scs
called_computation_lowered:
.L_overlay_start_0:
0x0: {  	s2 =	sld [smem:$0x3FD9]  }
0x1: {  	s3 =	sld [smem:$0x3FFE];
	_ =	sdelay $0x1  }
0x2: {  	s1 =	srdreg.scid  }
0x3: {  	s0 =	sand.u32 $0x1, s1  }
0x4: {  	s16 =	sshll.u32 s0, $0xA;
	s2 =	sadd.s32 s3, s2  }
0x5: {  	s2 =	sadd.s32 s2, s16  }
0x6: {  	[smem:$0x3FC6] =	sst s2  }
0x7: {  	_ = 	snop  }
0x8: {  	s2 =	sld [smem:$0x3FD0];
	_ =	sdelay $0x2  }
0x9: {  	s4 =	simm.s32 $0xA;
	s5 =	simm.s32 $0x10;
	s17 =	sld [smem:$0x3FC9]  }
0xa: {  	[smem:s5], [sflag:s4] =	dma.local [hbm:s2], $0x1  }
0xb: {  	_ =	swait.eq [sflag:s4], $0x1  }
0xc: {  	[sflag:s4] =	ssyncset.done $0x0  }
0xd: {  	[sflag:s4] =	ssyncadd.s32 $0xFFFFFFFF  }
0xe: {  	s18 =	sld [smem:$0x10];
	(tm) =	ssettm $0x1  }
0xf: {  	s19 =	sld [smem:$0x3FFB];
	_ =	sdelay $0x3  }
0x10: {  	_ =	strace s19  }
0x11: {  	s4 =	sld [smem:$0x3FFC];
	_ =	sdelay $0x3  }
0x12: {  	_ =	strace s4  }
0x13: {  	s4 =	sld [smem:$0x3FFD];
	_ =	sdelay $0x3  }
0x14: {  	_ =	strace s4  }
0x15: {  	_ =	strace $0x8FFFFFFF  }
0x16: {  	s20 =	sld [smem:$0x3FDB];
	_ =	sdelay $0x1  }
0x17: {  	s21 =	simm.s32 $_scs_section_size  }
0x18: {  	s6 =	simm.s32 $_size__tile_overlayer_lowered;
	s7 =	simm.s32 $_tile_overlayer_lowered  }
0x19: {  	s24 =	simm.s32 $0x1BFF;
	s23 =	sshll.u32 s7, $0x1;
	s4 =	sadd.s32 s21, s20  }
0x1a: {  	s8 =	simm.s32 $0x0;
	s22 =	sshll.u32 s6, $0x1;
	s6 =	sadd.s32 s23, s4  }
0x1b: {  	[timem:s8], [sflag:s24] =	dma.local [hbm:s6], s22  }
0x1c: {  	_ =	swait.ge [sflag:s24], s22  }
0x1d: {  	s5 =	ssub.s32 $0x0, s22;
	[sflag:s24] =	ssyncset.done $0x0  }
0x1e: {  	[sflag:s24] =	ssyncadd.s32 s5;
	_ =	sdelay $0x1  }
0x1f: {  	s25 =	simm.s32 $0x1B8B  }
0x20: {  	_ =	swait.ge [sflag:s25], $0x1  }
0x21: {  	[sflag:s25] =	ssyncset.done $0x0  }
0x22: {  	s26 =	simm.s32 $0x1B8E;
	[sflag:s25] =	ssyncadd.s32 $0xFFFFFFFF  }
0x23: {  	s27 =	simm.s32 $execute0_lowered;
	[smem:$0x3FD2] =	sst s26  }
0x24: {  	s5 =	sshll.u32 s27, $0x1;
	_ =	strace $0x80000046;
	[dreg:$0x1] =	wrdreg $0xFFFFFFFF  }
0x25: {  	s28 =	simm.s32 $_size_execute0_lowered;
	s4 =	sadd.s32 s4, s5;
	[dreg:$0x0] =	wrdreg $0x0  }
0x26: {  	s5 =	sshll.u32 s28, $0x1;
	[dreg:$0x2] =	wrdreg s4  }
0x27: {  	[dreg:$0x3] =	wrdreg s5  }
0x28: {  	[dreg:$0x4] =	wrdreg $0xC0  }
0x29: {  	_ =	task [dreg:s8], $0x5FFFF  }
0x2a: {  	[dreg:$0x1] =	wrdreg $0xFFFFFFFF  }
0x2b: {  	[dreg:$0x0] =	wrdreg $0x60  }
0x2c: {  	[dreg:$0x2] =	wrdreg s17  }
0x2d: {  	[dreg:$0x3] =	wrdreg s18  }
0x2e: {  	[dreg:$0x4] =	wrdreg $0x9  }
0x2f: {  	_ =	task.clear_ibuf [dreg:s8], $0x5FFFF;
	_ =	strace $0x90000046  }
0x30: {  	s29 =	simm.s32 $0x9;
	_ =	strace $0x80000048  }
0x31: {  	_ =	swait.ge [sflag:s29], $0x1  }
0x32: {  	[sflag:s29] =	ssyncadd.s32 $0xFFFFFFFF  }
0x33: {  	_ =	strace $0x90000048  }
0x34: {  	_ =	sfence  }
0x35: {  	s30 =	sld [smem:$0x0];
	_ =	sdelay $0x2  }
0x36: {  	s31 =	sshll.u32 s1, $0xD;
	s1 =	sshrl.u32 s1, $0x2  }
0x37: {  	s3 =	sand.u32 $0x4000, s31;
	s1 =	sadd.s32 s1, s30  }
0x38: {  	s0 =	sor.u32 s3, s0;
	s1 =	sshll.u32 s1, $0x11  }
0x39: {  	s0 =	sor.u32 s1, s0  }
0x3a: {  	s0 =	sadd.s32 $0x8F2B, s0  }
0x3b: {  	[sflag:s0] =	ssyncadd.remote.s32 $0x1  }
0x3c: {  	_ =	sfence.sel $0xFFFF  }
0x3d: {  	[dreg:$0x0] =	wrdreg $0xFFFFFFFF;
	(pc) =	sbr.abs _section_cstart, $3  }
0x3e: {  	[dreg:$0x1] =	wrdreg $0xFFFFFFFF  }
0x3f: {  	_ =	task.clear_ibuf [dreg:s8], $0x2FFFF;
	_ =	strace $0x9FFFFFFF  }
0x40: {  	(tm) =	ssettm $0x7FFFFFFF  }
0x41: {  	_ =	shalt  }
tec
execute0_lowered:
.L_overlay_start_1:
0x0: {  	(tag) =	ssettag $0x1  }
0x1: {  	s0 =	srdreg.scid  }
0x2: {  	s1 =	sshll.u32 s0, $0x4  }
0x3: {  	s2 =	rddreg [dreg:$0x0];
	s0 =	stileid.u32;
	s1 =	sand.u32 $0x10, s1  }
0x4: {  	s4 =	rddreg [dreg:$0x1];
	s1 =	sor.u32 s0, s1  }
0x5: {  	s7 =	simm.s32 $0x1;
	s8 =	simm.s32 $0x2;
	s3 =	sshll.u32 s1, $0x3  }
0x6: {  	s9 =	simm.s32 $0x0;
	s12 =	simm.s32 $0x0;
	s6 =	ssub.s32 $0x4980, s3  }
.Ltmp0:
0x7: {  	s11 =	simm.s32 $0x0;
	s5 =	sand.u32 $0xF8, s6;
	(pc) =	sbr.rel .LBB1_1-.Ltmp0, $4  }
0x8: {  	s1 =	rddreg [dreg:$0x2];
	_ =	strace $0x80000047;
	p0 =	sne.s32 s5, $0x0  }
0x9: {  	s6 =	sshrl.u32 s6, $0x8;
	s5 =	simm.s32 $0x1;
	s7 =	simm.s32 @!p0 $0x0  }
0xa: {  	s10 =	smov.u32 s3;
	[sflag:s5] =	ssyncpa.u1 $0x0;
	s6 =	sadd.s32 s7, s6  }
0xb: {  	[sflag:s8] =	ssyncpa.u1 $0x0;
	s8 =	simm.s32 $0x0;
	s7 =	sadd.s32 $0x1, s6  }
.LBB1_9:
0xc: {  	s14 =	sadd.s32 $0x100, s10  }
0xd: {  	p1 =	sgt.s32 s14, $0x497F  }
0xe: {  	s14 =	smov.u32 @p1 s3;
	p1 =	sne.s32 s11, s7  }
.Ltmp1:
0xf: {  	p0 =	slt.u32 s11, $0x2;
	(pc) =	sbr.rel @!p1 .LBB1_10-.Ltmp1, $4  }
0x10: {  	s13 =	simm.s32 @!p0 $0x2  }
0x11: {  	s15 =	sadd.s32 $0x1, s11;
	_ =	swait.ge @!p0 [sflag:s13], $0x4000  }
0x12: {  	s12 =	smov.u32 s10;
	s9 =	sadd.s32 $0x4000, s9;
	[sflag:s13] =	ssyncset.done @!p0 $0x0  }
0x13: {  	s11 =	smov.u32 s15;
	s10 =	smov.u32 s14;
	[sflag:s13] =	ssyncadd.s32 @!p0 $0xFFFFC000  }
.LBB1_1:
0x14: {  	p0 =	sge.u32 s11, s6  }
0x15: {  	s13 =	sxor.u32 @!p0 $0xFFFFFFFF, s11  }
0x16: {  	s31 =	sadd.s32 $0xFFFFFFFF, s11;
	s14 =	sshll.u32 @!p0 s10, $0x8;
	s13 =	sshll.u32 @!p0 s13, $0xE  }
0x17: {  	s15 =	simm.s32 @!p0 $0x0;
	s14 =	sadd.s32 @!p0 s2, s14;
	s13 =	sand.u32 @!p0 $0x4000, s13  }
0x18: {  	[tilespmem:s13], [sflag:$0x1] =	stream.linear.gather @!p0 [hbm4b:s14+s15], $0x4000, $0x38;
	[tilespmem:$0x10000] =	vst v63  }
0x19: {  	p0 =	sge.u32 s31, s6  }
.Ltmp2:
0x1a: {  	_ = 	snop;
	(pc) =	sbr.rel @p0 .LBB1_9-.Ltmp2, $1  }
0x1b: {  	_ =	sdelay $0x3  }
0x1c: {  	s13 =	sshll.u32 s9, $0x2;
	_ =	swait.ge [sflag:s5], $0x4000;
	s14 =	sshll.u32 s11, $0xE  }
0x1d: {  	s16 =	simm.s32 $0x0;
	s17 =	simm.s32 $0x0;
	s15 =	sand.u32 $0x10000, s13  }
0x1e: {  	[sflag:s5] =	ssyncset.done $0x0;
	s31 =	sand.u32 $0x4000, s14;
	s14 =	sshrl.u32 s15, $0x2  }
0x1f: {  	[sflag:s5] =	ssyncadd.s32 $0xFFFFC000;
	s13 =	sor.u32 $0x8000, s31;
	s15 =	sor.u32 $0x8000, s14  }
.LBB1_3:
0x20: {  	s18 =	sshra.s32 s16, $0x2  }
0x21: {  	v0 =	vmov s18;
	_ =	sdelay $0x3  }
0x22: {  	p1 =	por $0x1, $0x1;
	s18 =	simm.s32 $0x0  }
.LBB1_4:
0x23: {  	_ = 	snop  }
0x24: {  	s19 =	sshll.u32 s18, $0xA  }
0x25: {  	s19 =	sand.u32 $0x3FFFFC00, s19  }
0x26: {  	s19 =	sadd.s32 s19, s14  }
0x27: {  	v5 =	vld.idx.msk [tilespmem:v0+s19+$0x70 ss:$0x1], $0xffff  }
0x28: {  	v6 =	vld.idx.msk [tilespmem:v0+s19+$0x10 ss:$0x1], $0xffff  }
0x29: {  	v7 =	vld.idx.msk [tilespmem:v0+s19+$0x20 ss:$0x1], $0xffff  }
0x2a: {  	s31 =	sshll.u32 s18, $0x7;
	v1 =	vld.idx.msk [tilespmem:v0+s19+$0x30 ss:$0x1], $0xffff  }
0x2b: {  	s18 =	sand.u32 $0x3FFFFF80, s31;
	v2 =	vld.idx.msk [tilespmem:v0+s19+$0x40 ss:$0x1], $0xffff  }
0x2c: {  	s18 =	sadd.s32 s18, s15;
	v3 =	vld.idx.msk [tilespmem:v0+s19+$0x50 ss:$0x1], $0xffff  }
0x2d: {  	v4 =	vld.idx.msk [tilespmem:v0+s19+$0x60 ss:$0x1], $0xffff;
	[tilespmem:v0+s18+$0x70 ss:$0x1] =	vst.idx.msk $0xffff, v5  }
0x2e: {  	v5 =	vld.idx.msk [tilespmem:v0+s19+$0x0 ss:$0x1], $0xffff;
	[tilespmem:v0+s18+$0x10 ss:$0x1] =	vst.idx.msk $0xffff, v6;
	s19 =	sadd.s32 $0x80, s19  }
0x2f: {  	p0 =	por p1, p1;
	s20 =	simm.s32 $0x6;
	[tilespmem:v0+s18+$0x20 ss:$0x1] =	vst.idx.msk $0xffff, v7;
	v6 =	vld.idx.msk [tilespmem:v0+s19+$0x70 ss:$0x1], $0xffff  }
.LBB1_5:
0x30: {  	p1 =	sne.s32 s20, $0x1;
	v7 =	vld.idx.msk [tilespmem:v0+s19+$0x10 ss:$0x1], $0xffff;
	[tilespmem:v0+s18+$0x30 ss:$0x1] =	vst.idx.msk $0xffff, v1  }
0x31: {  	v8 =	vld.idx.msk [tilespmem:v0+s19+$0x20 ss:$0x1], $0xffff;
	[tilespmem:v0+s18+$0x40 ss:$0x1] =	vst.idx.msk $0xffff, v2  }
0x32: {  	v1 =	vld.idx.msk [tilespmem:v0+s19+$0x30 ss:$0x1], $0xffff;
	[tilespmem:v0+s18+$0x50 ss:$0x1] =	vst.idx.msk $0xffff, v3  }
.Ltmp3:
0x33: {  	v2 =	vld.idx.msk [tilespmem:v0+s19+$0x40 ss:$0x1], $0xffff;
	[tilespmem:v0+s18+$0x60 ss:$0x1] =	vst.idx.msk $0xffff, v4;
	(pc) =	sbr.rel @p1 .LBB1_5-.Ltmp3, $4  }
0x34: {  	v3 =	vld.idx.msk [tilespmem:v0+s19+$0x50 ss:$0x1], $0xffff;
	[tilespmem:v0+s18+$0x0 ss:$0x1] =	vst.idx.msk $0xffff, v5;
	s18 =	sadd.s32 $0x100, s18  }
0x35: {  	v4 =	vld.idx.msk [tilespmem:v0+s19+$0x60 ss:$0x1], $0xffff;
	[tilespmem:v0+s18+$0x70 ss:$0x1] =	vst.idx.msk $0xffff, v6  }
0x36: {  	v5 =	vld.idx.msk [tilespmem:v0+s19+$0x0 ss:$0x1], $0xffff;
	[tilespmem:v0+s18+$0x10 ss:$0x1] =	vst.idx.msk $0xffff, v7;
	s19 =	sadd.s32 $0x80, s19  }
0x37: {  	s20 =	sadd.s32 $0xFFFFFFFF, s20;
	v6 =	vld.idx.msk [tilespmem:v0+s19+$0x70 ss:$0x1], $0xffff;
	[tilespmem:v0+s18+$0x20 ss:$0x1] =	vst.idx.msk $0xffff, v8  }
0x38: {  	_ =	sdelay $0x3  }
0x39: {  	[tilespmem:v0+s18+$0x30 ss:$0x1] =	vst.idx.msk $0xffff, v1  }
0x3a: {  	v1 =	vld.idx.msk [tilespmem:v0+s19+$0x10 ss:$0x1], $0xffff;
	[tilespmem:v0+s18+$0x40 ss:$0x1] =	vst.idx.msk $0xffff, v2  }
0x3b: {  	v2 =	vld.idx.msk [tilespmem:v0+s19+$0x20 ss:$0x1], $0xffff;
	[tilespmem:v0+s18+$0x50 ss:$0x1] =	vst.idx.msk $0xffff, v3  }
0x3c: {  	v61 =	vld.idx.msk [tilespmem:v0+s19+$0x40 ss:$0x1], $0xffff;
	[tilespmem:v0+s18+$0x60 ss:$0x1] =	vst.idx.msk $0xffff, v4  }
0x3d: {  	s31 =	sadd.s32 $0x100, s18;
	v62 =	vld.idx.msk [tilespmem:v0+s19+$0x50 ss:$0x1], $0xffff;
	[tilespmem:v0+s18+$0x0 ss:$0x1] =	vst.idx.msk $0xffff, v5  }
0x3e: {  	v63 =	vld.idx.msk [tilespmem:v0+s19+$0x60 ss:$0x1], $0xffff;
	[tilespmem:v0+s31+$0x70 ss:$0x1] =	vst.idx.msk $0xffff, v6  }
0x3f: {  	v3 =	vld.idx.msk [tilespmem:v0+s19+$0x30 ss:$0x1], $0xffff;
	[tilespmem:v0+s31+$0x10 ss:$0x1] =	vst.idx.msk $0xffff, v1  }
0x40: {  	v1 =	vld.idx.msk [tilespmem:v0+s19+$0x0 ss:$0x1], $0xffff;
	[tilespmem:v0+s31+$0x20 ss:$0x1] =	vst.idx.msk $0xffff, v2  }
.Ltmp4:
0x41: {  	[tilespmem:v0+s31+$0x40 ss:$0x1] =	vst.idx.msk $0xffff, v61;
	(pc) =	sbr.rel @p0 .LBB1_4-.Ltmp4, $4  }
0x42: {  	[tilespmem:v0+s31+$0x50 ss:$0x1] =	vst.idx.msk $0xffff, v62  }
0x43: {  	[tilespmem:v0+s31+$0x60 ss:$0x1] =	vst.idx.msk $0xffff, v63  }
0x44: {  	[tilespmem:v0+s31+$0x30 ss:$0x1] =	vst.idx.msk $0xffff, v3  }
0x45: {  	p1 =	por $0x0, $0x0;
	s18 =	simm.s32 $0x1;
	[tilespmem:v0+s31+$0x0 ss:$0x1] =	vst.idx.msk $0xffff, v1  }
0x46: {  	s17 =	sadd.s32 $0x1, s17  }
0x47: {  	p0 =	sne.s32 s17, $0x8  }
.Ltmp5:
0x48: {  	_ = 	snop;
	(pc) =	sbr.rel @p0 .LBB1_3-.Ltmp5, $2  }
0x49: {  	_ =	sdelay $0x2  }
0x4a: {  	s16 =	sadd.s32 $0x2000, s16  }
.Ltmp6:
0x4b: {  	(pc) =	sbr.rel .LBB1_9-.Ltmp6, $4  }
0x4c: {  	_ = 	snop  }
0x4d: {  	s12 =	sshll.u32 s12, $0x8  }
0x4e: {  	s12 =	sadd.s32 s4, s12  }
0x4f: {  	[hbm4b:s12+s8] =	stream.linear.scatter [tilespmem:s13], [sflag:$0x2], $0x4000, $0x38;
	[tilespmem:$0x10000] =	vst v63  }
.LBB1_10:
0x50: {  	_ =	sfence.sel $0x180000  }
0x51: {  	s2 =	simm.s32 $0x1;
	[bflag:$0x0] =	sbarrier.arrive $0xFFFF  }
0x52: {  	s31 =	simm.s32 $0x2;
	[sflag:s2] =	ssyncpa.u1 $0x1  }
0x53: {  	[sflag:s31] =	ssyncpa.u1 $0x1  }
0x54: {  	p0 =	sne.s32 s0, $0x0;
	_ =	strace $0x90000047  }
0x55: {  	s0 =	sadd.s32 @!p0 $0x100000, s1;
	[bflag:$0x2] =	sbarrier.arrive $0xFFFF  }
0x56: {  	[sflag:s0] =	ssyncadd.tile.s32 @!p0 $0x1;
	_ =	shalt  }
.Lfunc_end1:
_tile_overlayer_lowered:
.L_overlay_start_2:
0x57: {  	(tag) =	ssettag $0x2  }
0x58: {  	s0 =	rddreg [dreg:$0x0];
	s2 =	stileid.u32  }
0x59: {  	s1 =	rddreg [dreg:$0x1];
	p0 =	sne.s32 s2, $0x0  }
0x5a: {  	s3 =	rddreg [dreg:$0x2];
	[bflag:$0x3] =	sbarrier.arrive $0xFFFF;
	s2 =	simm.s32 @!p0 $0x1C01  }
0x5b: {  	[timem:s3], [sflag:s2] =	dma.local @!p0 [hbm:s0], s1  }
0x5c: {  	s0 =	simm.s32 @!p0 $0x1  }
0x5d: {  	_ =	swait.ge @!p0 [sflag:s0], s1  }
0x5e: {  	s1 =	ssub.s32 @!p0 $0x0, s1;
	[sflag:s0] =	ssyncset.done @!p0 $0x0  }
0x5f: {  	[sflag:s0] =	ssyncadd.s32 @!p0 s1  }
0x60: {  	[bflag:$0x3] =	sbarrier.arrive $0xFFFF  }
0x61: {  	_ =	shalt  }

</sc_bundles>
